<compile_context>
chip_gen: v7x
topology: tpu7x:2x2x1
jax: 0.10.2.dev20260603
libtpu: 0.0.44.dev20260713+nightly
codegen_flags: <defaults>
</compile_context>

<pallas_src>
import functools

import jax
import jax.numpy as jnp
from jax import lax
from jax.experimental import pallas as pl
from jax.experimental.pallas import tpu as pltpu
from jax.experimental.pallas import tpu_sc as plsc

_NC = 2
_NS = 16
_NW = _NC * _NS


def _sc_gather_fn(n_tokens, vocab, hidden):
    n_per_w = n_tokens // _NW
    sizes = []
    rem = n_per_w
    while rem:
        sz = min(128, rem)
        sizes.append(sz)
        rem -= sz
    offs = [sum(sizes[:i]) for i in range(len(sizes))]

    mesh = plsc.VectorSubcoreMesh(core_axis_name="c", subcore_axis_name="s")

    nbuf = 4

    @functools.partial(
        pl.kernel,
        out_type=jax.ShapeDtypeStruct((n_tokens, hidden), jnp.float32),
        mesh=mesh,
        scratch_types=[
            pltpu.VMEM((n_per_w,), jnp.int32),
            pltpu.VMEM_SHARED((vocab, hidden), jnp.float32),
        ]
        + [pltpu.VMEM((128, hidden), jnp.float32)] * nbuf
        + [pltpu.SemaphoreType.DMA] * (2 * nbuf),
    )
    def sc_gather(idx_hbm, table_hbm, x_hbm, idx_v, table_sp, *bufs_sems):
        rows = bufs_sems[:nbuf]
        gsem = bufs_sems[nbuf : 2 * nbuf]
        ssem = bufs_sems[2 * nbuf :]
        sid = lax.axis_index("s")
        wid = sid * _NC + lax.axis_index("c")
        base = wid * n_per_w

        @pl.when(sid == 0)
        def _():
            pltpu.sync_copy(table_hbm, table_sp)

        pltpu.sync_copy(idx_hbm.at[pl.ds(base, n_per_w)], idx_v)
        plsc.subcore_barrier()
        n = len(sizes)

        def start_gather(c):
            sz = sizes[c]
            return pltpu.async_copy(
                table_sp.at[idx_v.at[pl.ds(offs[c], sz)]],
                rows[c % nbuf].at[pl.ds(0, sz)],
                gsem[c % nbuf],
            )

        def start_store(c):
            sz = sizes[c]
            return pltpu.async_copy(
                rows[c % nbuf].at[pl.ds(0, sz)],
                x_hbm.at[pl.ds(base + offs[c], sz)],
                ssem[c % nbuf],
            )

        gathers = {}
        stores = {}
        for j in range(min(2, n)):
            gathers[j] = start_gather(j)
        for c in range(n):
            nxt = c + 2
            if nxt < n:
                if nxt - nbuf >= 0:
                    stores[nxt - nbuf].wait()
                gathers[nxt] = start_gather(nxt)
            gathers[c].wait()
            stores[c] = start_store(c)
        for c in range(max(0, n - nbuf), n):
            if c in stores:
                stores[c].wait()

    return sc_gather


def _tc_matmul_body(x_ref, wt_ref, b_ref, o_ref):
    acc = lax.dot_general(
        wt_ref[...],
        x_ref[0],
        (((1,), (1,)), ((), ())),
        preferred_element_type=jnp.float32,
    )
    o_ref[0] = acc + b_ref[...]


def _tc_matmul_body_aliased(x_ref, w_ref, b_ref, prev_ref, o_ref):
    del prev_ref
    _tc_matmul_body(x_ref, w_ref, b_ref, o_ref)


def _tc_matmul_t_slice(x_t, wt, b_col, prev, l_off, seqlen_total):
    n_l, bsz, hidden = x_t.shape
    vocab = wt.shape[0]
    specs = [
        pl.BlockSpec((1, bsz, hidden), lambda i: (i, 0, 0)),
        pl.BlockSpec((vocab, hidden), lambda i: (0, 0)),
        pl.BlockSpec((vocab, 1), lambda i: (0, 0)),
    ]
    args = [x_t, wt, b_col]
    body = _tc_matmul_body
    aliases = {}
    if prev is not None:
        specs.append(pl.BlockSpec(memory_space=pl.ANY))
        args.append(prev)
        body = _tc_matmul_body_aliased
        aliases = {3: 0}
    return pl.pallas_call(
        body,
        grid=(n_l,),
        in_specs=specs,
        out_specs=pl.BlockSpec(
            (1, vocab, bsz), lambda i, l_off=l_off: (i + l_off, 0, 0)
        ),
        out_shape=jax.ShapeDtypeStruct((seqlen_total, vocab, bsz), jnp.float32),
        input_output_aliases=aliases,
    )(*args)


@jax.jit
def kernel(input_ids, embedding, W, b):
    bsz, seqlen = input_ids.shape
    vocab, hidden = embedding.shape
    n_tokens = bsz * seqlen

    ids_t = input_ids.T.reshape(-1).astype(jnp.int32)
    l_parts = [10, 40]
    assert sum(l_parts) == seqlen
    b_col = b.reshape(-1, 1)
    xs = []
    l_off = 0
    for l_part in l_parts:
        tok_part = l_part * bsz
        xs.append(
            _sc_gather_fn(tok_part, vocab, hidden)(
                lax.dynamic_slice_in_dim(ids_t, l_off * bsz, tok_part), embedding
            )
        )
        l_off += l_part
    Wt = W.T
    out_t = None
    l_off = 0
    for l_part, x_s in zip(l_parts, xs):
        out_t = _tc_matmul_t_slice(
            x_s.reshape(l_part, bsz, hidden), Wt, b_col, out_t, l_off, seqlen
        )
        l_off += l_part
    return jnp.transpose(out_t, (2, 0, 1))

# --- scband reference (transcript-rebuilt; emitter-appended) ---
"""Pipeline reference for scband-simple-model-36782099923664 (READ-ONLY COPY).

The authoritative reference and input builder live on the scoring server;
editing this copy changes nothing except your own understanding.
"""

import jax, jax.numpy as jnp
import numpy as np

VOCAB = 1000
HIDDEN = 128
B = 1024
L = 50


def setup_inputs(seed: int = 0) -> dict:
    key = jax.random.key(seed)
    k_ids, k_emb, k_w, k_b = jax.random.split(key, 4)
    input_ids = jax.random.randint(k_ids, (B, L), 0, VOCAB, dtype=jnp.int64 if jax.config.jax_enable_x64 else jnp.int32)
    embedding = jax.random.normal(k_emb, (VOCAB, HIDDEN), dtype=jnp.float32)
    # torch Linear: weight [out, in], bias [out]; use W [in, out] layout for matmul
    lim = 1.0 / np.sqrt(HIDDEN)
    W = jax.random.uniform(k_w, (HIDDEN, VOCAB), minval=-lim, maxval=lim, dtype=jnp.float32)
    b = jax.random.uniform(k_b, (VOCAB,), minval=-lim, maxval=lim, dtype=jnp.float32)
    return {"input_ids": input_ids, "embedding": embedding, "W": W, "b": b}


def reference(input_ids, embedding, W, b):
    # x = self.embedding(input_ids)  -> gather rows from embedding table
    x = jnp.take(embedding, input_ids, axis=0)  # [B, L, HIDDEN]
    # logits = self.linear(x)
    logits = jnp.einsum('blh,hv->blv', x, W) + b  # [B, L, VOCAB]
    return logits

if __name__ == "__main__":
    import jax
    _d = setup_inputs()
    print(jax.jit(kernel)(*tuple(_d.values())))

</pallas_src>

<mosaic_0001>
#map = affine_map<(d0, d1) -> (0)>
#map1 = affine_map<(d0, d1) -> (0, 0)>
module attributes {stable_mosaic.version = 14 : i64} {
  func.func @sc_gather(%arg0: i32, %arg1: i32, %arg2: memref<10240xi32, #tpu.memory_space<hbm>>, %arg3: memref<1000x128xf32, #tpu.memory_space<hbm>>, %arg4: memref<10240x128xf32, #tpu.memory_space<hbm>>, %arg5: memref<320xi32, #tpu.memory_space<vmem>>, %arg6: memref<1000x128xf32, #tpu.memory_space<vmem_shared>>, %arg7: memref<128x128xf32, #tpu.memory_space<vmem>>, %arg8: memref<128x128xf32, #tpu.memory_space<vmem>>, %arg9: memref<128x128xf32, #tpu.memory_space<vmem>>, %arg10: memref<128x128xf32, #tpu.memory_space<vmem>>, %arg11: memref<!tpu.dma_semaphore, #tpu.memory_space<semaphore_mem>>, %arg12: memref<!tpu.dma_semaphore, #tpu.memory_space<semaphore_mem>>, %arg13: memref<!tpu.dma_semaphore, #tpu.memory_space<semaphore_mem>>, %arg14: memref<!tpu.dma_semaphore, #tpu.memory_space<semaphore_mem>>, %arg15: memref<!tpu.dma_semaphore, #tpu.memory_space<semaphore_mem>>, %arg16: memref<!tpu.dma_semaphore, #tpu.memory_space<semaphore_mem>>, %arg17: memref<!tpu.dma_semaphore, #tpu.memory_space<semaphore_mem>>, %arg18: memref<!tpu.dma_semaphore, #tpu.memory_space<semaphore_mem>>) attributes {dimension_semantics = [#tpu.dimension_semantics<core_parallel>, #tpu.dimension_semantics<subcore_parallel>], iteration_bounds = array<i64: 2, 16>, scalar_prefetch = 0 : i64, scratch_operands = 14 : i64, tpu.core_type = #tpu.core_type<sc_vector_subcore>, window_params = [{transform_indices = #map}, {transform_indices = #map1}, {transform_indices = #map1}]} {
    %mul3A = arith.constant 2 : i32
    %mul3A_0 = arith.muli %arg1, %mul3A : i32
    %add3A = arith.addi %mul3A_0, %arg0 : i32
    %mul3A_1 = arith.constant 320 : i32
    %mul3A_2 = arith.muli %add3A, %mul3A_1 : i32
    %eq3A = arith.constant 0 : i32
    %eq3A_3 = arith.cmpi eq, %arg1, %eq3A : i32
    %convert_element_type3A = arith.extui %eq3A_3 : i1 to i32
    %cond3A = arith.constant 0 : i32
    %cond3A_4 = arith.cmpi ne, %convert_element_type3A, %cond3A : i32
    scf.if %cond3A_4 {
      "tpu.region"() ({
        %run_scoped3A = tpu.sem_alloc : memref<!tpu.dma_semaphore, #tpu.memory_space<semaphore_mem>>
        tpu.enqueue_dma source(%arg3 : memref<1000x128xf32, #tpu.memory_space<hbm>>) target(%arg6 : memref<1000x128xf32, #tpu.memory_space<vmem_shared>>) target_semaphore(%run_scoped3A : memref<!tpu.dma_semaphore, #tpu.memory_space<semaphore_mem>>)
        tpu.wait_dma2 semaphore(%run_scoped3A : memref<!tpu.dma_semaphore, #tpu.memory_space<semaphore_mem>>) src(%arg3 : memref<1000x128xf32, #tpu.memory_space<hbm>>) dst(%arg6 : memref<1000x128xf32, #tpu.memory_space<vmem_shared>>)
        tpu.yield
      }) : () -> ()
    } else {
    }
    "tpu.region"() ({
      %run_scoped3A = tpu.sem_alloc : memref<!tpu.dma_semaphore, #tpu.memory_space<semaphore_mem>>
      %dma_start3A_117 = tpu.memref_slice %arg2[%mul3A_2] : memref<10240xi32, #tpu.memory_space<hbm>> -> memref<320xi32, #tpu.memory_space<hbm>>
      %dma_start3A_118 = tpu.memref_slice %arg2[%mul3A_2] : memref<10240xi32, #tpu.memory_space<hbm>> -> memref<320xi32, #tpu.memory_space<hbm>>
      tpu.enqueue_dma source(%dma_start3A_118 : memref<320xi32, #tpu.memory_space<hbm>>) target(%arg5 : memref<320xi32, #tpu.memory_space<vmem>>) target_semaphore(%run_scoped3A : memref<!tpu.dma_semaphore, #tpu.memory_space<semaphore_mem>>)
      %dma_wait3A_119 = tpu.memref_slice %arg2[%mul3A_2] : memref<10240xi32, #tpu.memory_space<hbm>> -> memref<320xi32, #tpu.memory_space<hbm>>
      %dma_wait3A_120 = tpu.memref_slice %arg2[%mul3A_2] : memref<10240xi32, #tpu.memory_space<hbm>> -> memref<320xi32, #tpu.memory_space<hbm>>
      tpu.wait_dma2 semaphore(%run_scoped3A : memref<!tpu.dma_semaphore, #tpu.memory_space<semaphore_mem>>) src(%dma_wait3A_120 : memref<320xi32, #tpu.memory_space<hbm>>) dst(%arg5 : memref<320xi32, #tpu.memory_space<vmem>>)
      tpu.yield
    }) : () -> ()
    %barrier3A = arith.constant 0 : index
    tpu.barrier barrier_id(%barrier3A)
    %dma_start3A = arith.constant 0 : i32
    %dma_start3A_5 = arith.constant 0 : i32
    %dma_start3A_6 = tpu.memref_slice %arg7[%dma_start3A, %dma_start3A_5] : memref<128x128xf32, #tpu.memory_space<vmem>> -> memref<128x128xf32, #tpu.memory_space<vmem>>
    %dma_start3A_7 = arith.constant 0 : i32
    %dma_start3A_8 = tpu.memref_slice %arg5[%dma_start3A_7] : memref<320xi32, #tpu.memory_space<vmem>> -> memref<128xi32, #tpu.memory_space<vmem>>
    %dma_start3A_9 = arith.constant 0 : i32
    %dma_start3A_10 = arith.constant 0 : i32
    %dma_start3A_11 = tpu.memref_slice %arg6[%dma_start3A_9, %dma_start3A_10] : memref<1000x128xf32, #tpu.memory_space<vmem_shared>> -> memref<1000x128xf32, #tpu.memory_space<vmem_shared>>
    tpu.enqueue_indirect_dma source(%dma_start3A_11 : memref<1000x128xf32, #tpu.memory_space<vmem_shared>>) target(%dma_start3A_6 : memref<128x128xf32, #tpu.memory_space<vmem>>) offsets(%dma_start3A_8 : memref<128xi32, #tpu.memory_space<vmem>>) semaphore(%arg11 : memref<!tpu.dma_semaphore, #tpu.memory_space<semaphore_mem>>)
    %dma_start3A_12 = arith.constant 0 : i32
    %dma_start3A_13 = arith.constant 0 : i32
    %dma_start3A_14 = tpu.memref_slice %arg8[%dma_start3A_12, %dma_start3A_13] : memref<128x128xf32, #tpu.memory_space<vmem>> -> memref<128x128xf32, #tpu.memory_space<vmem>>
    %dma_start3A_15 = arith.constant 128 : i32
    %dma_start3A_16 = tpu.memref_slice %arg5[%dma_start3A_15] : memref<320xi32, #tpu.memory_space<vmem>> -> memref<128xi32, #tpu.memory_space<vmem>>
    %dma_start3A_17 = arith.constant 0 : i32
    %dma_start3A_18 = arith.constant 0 : i32
    %dma_start3A_19 = tpu.memref_slice %arg6[%dma_start3A_17, %dma_start3A_18] : memref<1000x128xf32, #tpu.memory_space<vmem_shared>> -> memref<1000x128xf32, #tpu.memory_space<vmem_shared>>
    tpu.enqueue_indirect_dma source(%dma_start3A_19 : memref<1000x128xf32, #tpu.memory_space<vmem_shared>>) target(%dma_start3A_14 : memref<128x128xf32, #tpu.memory_space<vmem>>) offsets(%dma_start3A_16 : memref<128xi32, #tpu.memory_space<vmem>>) semaphore(%arg12 : memref<!tpu.dma_semaphore, #tpu.memory_space<semaphore_mem>>)
    %dma_start3A_20 = arith.constant 0 : i32
    %dma_start3A_21 = arith.constant 0 : i32
    %dma_start3A_22 = tpu.memref_slice %arg9[%dma_start3A_20, %dma_start3A_21] : memref<128x128xf32, #tpu.memory_space<vmem>> -> memref<64x128xf32, #tpu.memory_space<vmem>>
    %dma_start3A_23 = arith.constant 256 : i32
    %dma_start3A_24 = tpu.memref_slice %arg5[%dma_start3A_23] : memref<320xi32, #tpu.memory_space<vmem>> -> memref<64xi32, #tpu.memory_space<vmem>>
    %dma_start3A_25 = arith.constant 0 : i32
    %dma_start3A_26 = arith.constant 0 : i32
    %dma_start3A_27 = tpu.memref_slice %arg6[%dma_start3A_25, %dma_start3A_26] : memref<1000x128xf32, #tpu.memory_space<vmem_shared>> -> memref<1000x128xf32, #tpu.memory_space<vmem_shared>>
    tpu.enqueue_indirect_dma source(%dma_start3A_27 : memref<1000x128xf32, #tpu.memory_space<vmem_shared>>) target(%dma_start3A_22 : memref<64x128xf32, #tpu.memory_space<vmem>>) offsets(%dma_start3A_24 : memref<64xi32, #tpu.memory_space<vmem>>) semaphore(%arg13 : memref<!tpu.dma_semaphore, #tpu.memory_space<semaphore_mem>>)
    %dma_wait3A = arith.constant 0 : i32
    %dma_wait3A_28 = arith.constant 0 : i32
    %dma_wait3A_29 = tpu.memref_slice %arg7[%dma_wait3A, %dma_wait3A_28] : memref<128x128xf32, #tpu.memory_space<vmem>> -> memref<128x128xf32, #tpu.memory_space<vmem>>
    %dma_wait3A_30 = arith.constant 0 : i32
    %dma_wait3A_31 = tpu.memref_slice %arg5[%dma_wait3A_30] : memref<320xi32, #tpu.memory_space<vmem>> -> memref<128xi32, #tpu.memory_space<vmem>>
    %dma_wait3A_32 = arith.constant 0 : i32
    %dma_wait3A_33 = arith.constant 0 : i32
    %dma_wait3A_34 = tpu.memref_slice %arg6[%dma_wait3A_32, %dma_wait3A_33] : memref<1000x128xf32, #tpu.memory_space<vmem_shared>> -> memref<1000x128xf32, #tpu.memory_space<vmem_shared>>
    tpu.wait_indirect_dma semaphore(%arg11 : memref<!tpu.dma_semaphore, #tpu.memory_space<semaphore_mem>>) src(%dma_wait3A_34 : memref<1000x128xf32, #tpu.memory_space<vmem_shared>>) dst(%dma_wait3A_29 : memref<128x128xf32, #tpu.memory_space<vmem>>)
    %add3A_35 = arith.constant 0 : i32
    %add3A_36 = arith.addi %mul3A_2, %add3A_35 : i32
    %dma_start3A_37 = arith.constant 0 : i32
    %dma_start3A_38 = arith.constant 0 : i32
    %dma_start3A_39 = tpu.memref_slice %arg7[%dma_start3A_37, %dma_start3A_38] : memref<128x128xf32, #tpu.memory_space<vmem>> -> memref<128x128xf32, #tpu.memory_space<vmem>>
    %dma_start3A_40 = arith.constant 0 : i32
    %dma_start3A_41 = tpu.memref_slice %arg4[%add3A_36, %dma_start3A_40] : memref<10240x128xf32, #tpu.memory_space<hbm>> -> memref<128x128xf32, #tpu.memory_space<hbm>>
    %dma_start3A_42 = arith.constant 0 : i32
    %dma_start3A_43 = tpu.memref_slice %arg4[%add3A_36, %dma_start3A_42] : memref<10240x128xf32, #tpu.memory_space<hbm>> -> memref<128x128xf32, #tpu.memory_space<hbm>>
    %dma_start3A_44 = arith.constant 0 : i32
    %dma_start3A_45 = arith.constant 0 : i32
    %dma_start3A_46 = tpu.memref_slice %arg7[%dma_start3A_44, %dma_start3A_45] : memref<128x128xf32, #tpu.memory_space<vmem>> -> memref<128x128xf32, #tpu.memory_space<vmem>>
    tpu.enqueue_dma source(%dma_start3A_46 : memref<128x128xf32, #tpu.memory_space<vmem>>) target(%dma_start3A_43 : memref<128x128xf32, #tpu.memory_space<hbm>>) target_semaphore(%arg15 : memref<!tpu.dma_semaphore, #tpu.memory_space<semaphore_mem>>)
    %dma_wait3A_47 = arith.constant 0 : i32
    %dma_wait3A_48 = arith.constant 0 : i32
    %dma_wait3A_49 = tpu.memref_slice %arg8[%dma_wait3A_47, %dma_wait3A_48] : memref<128x128xf32, #tpu.memory_space<vmem>> -> memref<128x128xf32, #tpu.memory_space<vmem>>
    %dma_wait3A_50 = arith.constant 128 : i32
    %dma_wait3A_51 = tpu.memref_slice %arg5[%dma_wait3A_50] : memref<320xi32, #tpu.memory_space<vmem>> -> memref<128xi32, #tpu.memory_space<vmem>>
    %dma_wait3A_52 = arith.constant 0 : i32
    %dma_wait3A_53 = arith.constant 0 : i32
    %dma_wait3A_54 = tpu.memref_slice %arg6[%dma_wait3A_52, %dma_wait3A_53] : memref<1000x128xf32, #tpu.memory_space<vmem_shared>> -> memref<1000x128xf32, #tpu.memory_space<vmem_shared>>
    tpu.wait_indirect_dma semaphore(%arg12 : memref<!tpu.dma_semaphore, #tpu.memory_space<semaphore_mem>>) src(%dma_wait3A_54 : memref<1000x128xf32, #tpu.memory_space<vmem_shared>>) dst(%dma_wait3A_49 : memref<128x128xf32, #tpu.memory_space<vmem>>)
    %add3A_55 = arith.constant 128 : i32
    %add3A_56 = arith.addi %mul3A_2, %add3A_55 : i32
    %dma_start3A_57 = arith.constant 0 : i32
    %dma_start3A_58 = arith.constant 0 : i32
    %dma_start3A_59 = tpu.memref_slice %arg8[%dma_start3A_57, %dma_start3A_58] : memref<128x128xf32, #tpu.memory_space<vmem>> -> memref<128x128xf32, #tpu.memory_space<vmem>>
    %dma_start3A_60 = arith.constant 0 : i32
    %dma_start3A_61 = tpu.memref_slice %arg4[%add3A_56, %dma_start3A_60] : memref<10240x128xf32, #tpu.memory_space<hbm>> -> memref<128x128xf32, #tpu.memory_space<hbm>>
    %dma_start3A_62 = arith.constant 0 : i32
    %dma_start3A_63 = tpu.memref_slice %arg4[%add3A_56, %dma_start3A_62] : memref<10240x128xf32, #tpu.memory_space<hbm>> -> memref<128x128xf32, #tpu.memory_space<hbm>>
    %dma_start3A_64 = arith.constant 0 : i32
    %dma_start3A_65 = arith.constant 0 : i32
    %dma_start3A_66 = tpu.memref_slice %arg8[%dma_start3A_64, %dma_start3A_65] : memref<128x128xf32, #tpu.memory_space<vmem>> -> memref<128x128xf32, #tpu.memory_space<vmem>>
    tpu.enqueue_dma source(%dma_start3A_66 : memref<128x128xf32, #tpu.memory_space<vmem>>) target(%dma_start3A_63 : memref<128x128xf32, #tpu.memory_space<hbm>>) target_semaphore(%arg16 : memref<!tpu.dma_semaphore, #tpu.memory_space<semaphore_mem>>)
    %dma_wait3A_67 = arith.constant 0 : i32
    %dma_wait3A_68 = arith.constant 0 : i32
    %dma_wait3A_69 = tpu.memref_slice %arg9[%dma_wait3A_67, %dma_wait3A_68] : memref<128x128xf32, #tpu.memory_space<vmem>> -> memref<64x128xf32, #tpu.memory_space<vmem>>
    %dma_wait3A_70 = arith.constant 256 : i32
    %dma_wait3A_71 = tpu.memref_slice %arg5[%dma_wait3A_70] : memref<320xi32, #tpu.memory_space<vmem>> -> memref<64xi32, #tpu.memory_space<vmem>>
    %dma_wait3A_72 = arith.constant 0 : i32
    %dma_wait3A_73 = arith.constant 0 : i32
    %dma_wait3A_74 = tpu.memref_slice %arg6[%dma_wait3A_72, %dma_wait3A_73] : memref<1000x128xf32, #tpu.memory_space<vmem_shared>> -> memref<1000x128xf32, #tpu.memory_space<vmem_shared>>
    tpu.wait_indirect_dma semaphore(%arg13 : memref<!tpu.dma_semaphore, #tpu.memory_space<semaphore_mem>>) src(%dma_wait3A_74 : memref<1000x128xf32, #tpu.memory_space<vmem_shared>>) dst(%dma_wait3A_69 : memref<64x128xf32, #tpu.memory_space<vmem>>)
    %add3A_75 = arith.constant 256 : i32
    %add3A_76 = arith.addi %mul3A_2, %add3A_75 : i32
    %dma_start3A_77 = arith.constant 0 : i32
    %dma_start3A_78 = arith.constant 0 : i32
    %dma_start3A_79 = tpu.memref_slice %arg9[%dma_start3A_77, %dma_start3A_78] : memref<128x128xf32, #tpu.memory_space<vmem>> -> memref<64x128xf32, #tpu.memory_space<vmem>>
    %dma_start3A_80 = arith.constant 0 : i32
    %dma_start3A_81 = tpu.memref_slice %arg4[%add3A_76, %dma_start3A_80] : memref<10240x128xf32, #tpu.memory_space<hbm>> -> memref<64x128xf32, #tpu.memory_space<hbm>>
    %dma_start3A_82 = arith.constant 0 : i32
    %dma_start3A_83 = tpu.memref_slice %arg4[%add3A_76, %dma_start3A_82] : memref<10240x128xf32, #tpu.memory_space<hbm>> -> memref<64x128xf32, #tpu.memory_space<hbm>>
    %dma_start3A_84 = arith.constant 0 : i32
    %dma_start3A_85 = arith.constant 0 : i32
    %dma_start3A_86 = tpu.memref_slice %arg9[%dma_start3A_84, %dma_start3A_85] : memref<128x128xf32, #tpu.memory_space<vmem>> -> memref<64x128xf32, #tpu.memory_space<vmem>>
    tpu.enqueue_dma source(%dma_start3A_86 : memref<64x128xf32, #tpu.memory_space<vmem>>) target(%dma_start3A_83 : memref<64x128xf32, #tpu.memory_space<hbm>>) target_semaphore(%arg17 : memref<!tpu.dma_semaphore, #tpu.memory_space<semaphore_mem>>)
    %dma_wait3A_87 = arith.constant 0 : i32
    %dma_wait3A_88 = arith.constant 0 : i32
    %dma_wait3A_89 = tpu.memref_slice %arg7[%dma_wait3A_87, %dma_wait3A_88] : memref<128x128xf32, #tpu.memory_space<vmem>> -> memref<128x128xf32, #tpu.memory_space<vmem>>
    %dma_wait3A_90 = arith.constant 0 : i32
    %dma_wait3A_91 = tpu.memref_slice %arg4[%add3A_36, %dma_wait3A_90] : memref<10240x128xf32, #tpu.memory_space<hbm>> -> memref<128x128xf32, #tpu.memory_space<hbm>>
    %dma_wait3A_92 = arith.constant 0 : i32
    %dma_wait3A_93 = tpu.memref_slice %arg4[%add3A_36, %dma_wait3A_92] : memref<10240x128xf32, #tpu.memory_space<hbm>> -> memref<128x128xf32, #tpu.memory_space<hbm>>
    %dma_wait3A_94 = arith.constant 0 : i32
    %dma_wait3A_95 = arith.constant 0 : i32
    %dma_wait3A_96 = tpu.memref_slice %arg7[%dma_wait3A_94, %dma_wait3A_95] : memref<128x128xf32, #tpu.memory_space<vmem>> -> memref<128x128xf32, #tpu.memory_space<vmem>>
    tpu.wait_dma2 semaphore(%arg15 : memref<!tpu.dma_semaphore, #tpu.memory_space<semaphore_mem>>) src(%dma_wait3A_96 : memref<128x128xf32, #tpu.memory_space<vmem>>) dst(%dma_wait3A_93 : memref<128x128xf32, #tpu.memory_space<hbm>>)
    %dma_wait3A_97 = arith.constant 0 : i32
    %dma_wait3A_98 = arith.constant 0 : i32
    %dma_wait3A_99 = tpu.memref_slice %arg8[%dma_wait3A_97, %dma_wait3A_98] : memref<128x128xf32, #tpu.memory_space<vmem>> -> memref<128x128xf32, #tpu.memory_space<vmem>>
    %dma_wait3A_100 = arith.constant 0 : i32
    %dma_wait3A_101 = tpu.memref_slice %arg4[%add3A_56, %dma_wait3A_100] : memref<10240x128xf32, #tpu.memory_space<hbm>> -> memref<128x128xf32, #tpu.memory_space<hbm>>
    %dma_wait3A_102 = arith.constant 0 : i32
    %dma_wait3A_103 = tpu.memref_slice %arg4[%add3A_56, %dma_wait3A_102] : memref<10240x128xf32, #tpu.memory_space<hbm>> -> memref<128x128xf32, #tpu.memory_space<hbm>>
    %dma_wait3A_104 = arith.constant 0 : i32
    %dma_wait3A_105 = arith.constant 0 : i32
    %dma_wait3A_106 = tpu.memref_slice %arg8[%dma_wait3A_104, %dma_wait3A_105] : memref<128x128xf32, #tpu.memory_space<vmem>> -> memref<128x128xf32, #tpu.memory_space<vmem>>
    tpu.wait_dma2 semaphore(%arg16 : memref<!tpu.dma_semaphore, #tpu.memory_space<semaphore_mem>>) src(%dma_wait3A_106 : memref<128x128xf32, #tpu.memory_space<vmem>>) dst(%dma_wait3A_103 : memref<128x128xf32, #tpu.memory_space<hbm>>)
    %dma_wait3A_107 = arith.constant 0 : i32
    %dma_wait3A_108 = arith.constant 0 : i32
    %dma_wait3A_109 = tpu.memref_slice %arg9[%dma_wait3A_107, %dma_wait3A_108] : memref<128x128xf32, #tpu.memory_space<vmem>> -> memref<64x128xf32, #tpu.memory_space<vmem>>
    %dma_wait3A_110 = arith.constant 0 : i32
    %dma_wait3A_111 = tpu.memref_slice %arg4[%add3A_76, %dma_wait3A_110] : memref<10240x128xf32, #tpu.memory_space<hbm>> -> memref<64x128xf32, #tpu.memory_space<hbm>>
    %dma_wait3A_112 = arith.constant 0 : i32
    %dma_wait3A_113 = tpu.memref_slice %arg4[%add3A_76, %dma_wait3A_112] : memref<10240x128xf32, #tpu.memory_space<hbm>> -> memref<64x128xf32, #tpu.memory_space<hbm>>
    %dma_wait3A_114 = arith.constant 0 : i32
    %dma_wait3A_115 = arith.constant 0 : i32
    %dma_wait3A_116 = tpu.memref_slice %arg9[%dma_wait3A_114, %dma_wait3A_115] : memref<128x128xf32, #tpu.memory_space<vmem>> -> memref<64x128xf32, #tpu.memory_space<vmem>>
    tpu.wait_dma2 semaphore(%arg17 : memref<!tpu.dma_semaphore, #tpu.memory_space<semaphore_mem>>) src(%dma_wait3A_116 : memref<64x128xf32, #tpu.memory_space<vmem>>) dst(%dma_wait3A_113 : memref<64x128xf32, #tpu.memory_space<hbm>>)
    return
  }
}

#map = affine_map<(d0, d1) -> (0)>
#map1 = affine_map<(d0, d1) -> (0, 0)>
module attributes {stable_mosaic.version = 14 : i64} {
  func.func @sc_gather(%arg0: i32, %arg1: i32, %arg2: memref<40960xi32, #tpu.memory_space<hbm>>, %arg3: memref<1000x128xf32, #tpu.memory_space<hbm>>, %arg4: memref<40960x128xf32, #tpu.memory_space<hbm>>, %arg5: memref<1280xi32, #tpu.memory_space<vmem>>, %arg6: memref<1000x128xf32, #tpu.memory_space<vmem_shared>>, %arg7: memref<128x128xf32, #tpu.memory_space<vmem>>, %arg8: memref<128x128xf32, #tpu.memory_space<vmem>>, %arg9: memref<128x128xf32, #tpu.memory_space<vmem>>, %arg10: memref<128x128xf32, #tpu.memory_space<vmem>>, %arg11: memref<!tpu.dma_semaphore, #tpu.memory_space<semaphore_mem>>, %arg12: memref<!tpu.dma_semaphore, #tpu.memory_space<semaphore_mem>>, %arg13: memref<!tpu.dma_semaphore, #tpu.memory_space<semaphore_mem>>, %arg14: memref<!tpu.dma_semaphore, #tpu.memory_space<semaphore_mem>>, %arg15: memref<!tpu.dma_semaphore, #tpu.memory_space<semaphore_mem>>, %arg16: memref<!tpu.dma_semaphore, #tpu.memory_space<semaphore_mem>>, %arg17: memref<!tpu.dma_semaphore, #tpu.memory_space<semaphore_mem>>, %arg18: memref<!tpu.dma_semaphore, #tpu.memory_space<semaphore_mem>>) attributes {dimension_semantics = [#tpu.dimension_semantics<core_parallel>, #tpu.dimension_semantics<subcore_parallel>], iteration_bounds = array<i64: 2, 16>, scalar_prefetch = 0 : i64, scratch_operands = 14 : i64, tpu.core_type = #tpu.core_type<sc_vector_subcore>, window_params = [{transform_indices = #map}, {transform_indices = #map1}, {transform_indices = #map1}]} {
    %mul3A = arith.constant 2 : i32
    %mul3A_0 = arith.muli %arg1, %mul3A : i32
    %add3A = arith.addi %mul3A_0, %arg0 : i32
    %mul3A_1 = arith.constant 1280 : i32
    %mul3A_2 = arith.muli %add3A, %mul3A_1 : i32
    %eq3A = arith.constant 0 : i32
    %eq3A_3 = arith.cmpi eq, %arg1, %eq3A : i32
    %convert_element_type3A = arith.extui %eq3A_3 : i1 to i32
    %cond3A = arith.constant 0 : i32
    %cond3A_4 = arith.cmpi ne, %convert_element_type3A, %cond3A : i32
    scf.if %cond3A_4 {
      "tpu.region"() ({
        %run_scoped3A = tpu.sem_alloc : memref<!tpu.dma_semaphore, #tpu.memory_space<semaphore_mem>>
        tpu.enqueue_dma source(%arg3 : memref<1000x128xf32, #tpu.memory_space<hbm>>) target(%arg6 : memref<1000x128xf32, #tpu.memory_space<vmem_shared>>) target_semaphore(%run_scoped3A : memref<!tpu.dma_semaphore, #tpu.memory_space<semaphore_mem>>)
        tpu.wait_dma2 semaphore(%run_scoped3A : memref<!tpu.dma_semaphore, #tpu.memory_space<semaphore_mem>>) src(%arg3 : memref<1000x128xf32, #tpu.memory_space<hbm>>) dst(%arg6 : memref<1000x128xf32, #tpu.memory_space<vmem_shared>>)
        tpu.yield
      }) : () -> ()
    } else {
    }
    "tpu.region"() ({
      %run_scoped3A = tpu.sem_alloc : memref<!tpu.dma_semaphore, #tpu.memory_space<semaphore_mem>>
      %dma_start3A_383 = tpu.memref_slice %arg2[%mul3A_2] : memref<40960xi32, #tpu.memory_space<hbm>> -> memref<1280xi32, #tpu.memory_space<hbm>>
      %dma_start3A_384 = tpu.memref_slice %arg2[%mul3A_2] : memref<40960xi32, #tpu.memory_space<hbm>> -> memref<1280xi32, #tpu.memory_space<hbm>>
      tpu.enqueue_dma source(%dma_start3A_384 : memref<1280xi32, #tpu.memory_space<hbm>>) target(%arg5 : memref<1280xi32, #tpu.memory_space<vmem>>) target_semaphore(%run_scoped3A : memref<!tpu.dma_semaphore, #tpu.memory_space<semaphore_mem>>)
      %dma_wait3A_385 = tpu.memref_slice %arg2[%mul3A_2] : memref<40960xi32, #tpu.memory_space<hbm>> -> memref<1280xi32, #tpu.memory_space<hbm>>
      %dma_wait3A_386 = tpu.memref_slice %arg2[%mul3A_2] : memref<40960xi32, #tpu.memory_space<hbm>> -> memref<1280xi32, #tpu.memory_space<hbm>>
      tpu.wait_dma2 semaphore(%run_scoped3A : memref<!tpu.dma_semaphore, #tpu.memory_space<semaphore_mem>>) src(%dma_wait3A_386 : memref<1280xi32, #tpu.memory_space<hbm>>) dst(%arg5 : memref<1280xi32, #tpu.memory_space<vmem>>)
      tpu.yield
    }) : () -> ()
    %barrier3A = arith.constant 0 : index
    tpu.barrier barrier_id(%barrier3A)
    %dma_start3A = arith.constant 0 : i32
    %dma_start3A_5 = arith.constant 0 : i32
    %dma_start3A_6 = tpu.memref_slice %arg7[%dma_start3A, %dma_start3A_5] : memref<128x128xf32, #tpu.memory_space<vmem>> -> memref<128x128xf32, #tpu.memory_space<vmem>>
    %dma_start3A_7 = arith.constant 0 : i32
    %dma_start3A_8 = tpu.memref_slice %arg5[%dma_start3A_7] : memref<1280xi32, #tpu.memory_space<vmem>> -> memref<128xi32, #tpu.memory_space<vmem>>
    %dma_start3A_9 = arith.constant 0 : i32
    %dma_start3A_10 = arith.constant 0 : i32
    %dma_start3A_11 = tpu.memref_slice %arg6[%dma_start3A_9, %dma_start3A_10] : memref<1000x128xf32, #tpu.memory_space<vmem_shared>> -> memref<1000x128xf32, #tpu.memory_space<vmem_shared>>
    tpu.enqueue_indirect_dma source(%dma_start3A_11 : memref<1000x128xf32, #tpu.memory_space<vmem_shared>>) target(%dma_start3A_6 : memref<128x128xf32, #tpu.memory_space<vmem>>) offsets(%dma_start3A_8 : memref<128xi32, #tpu.memory_space<vmem>>) semaphore(%arg11 : memref<!tpu.dma_semaphore, #tpu.memory_space<semaphore_mem>>)
    %dma_start3A_12 = arith.constant 0 : i32
    %dma_start3A_13 = arith.constant 0 : i32
    %dma_start3A_14 = tpu.memref_slice %arg8[%dma_start3A_12, %dma_start3A_13] : memref<128x128xf32, #tpu.memory_space<vmem>> -> memref<128x128xf32, #tpu.memory_space<vmem>>
    %dma_start3A_15 = arith.constant 128 : i32
    %dma_start3A_16 = tpu.memref_slice %arg5[%dma_start3A_15] : memref<1280xi32, #tpu.memory_space<vmem>> -> memref<128xi32, #tpu.memory_space<vmem>>
    %dma_start3A_17 = arith.constant 0 : i32
    %dma_start3A_18 = arith.constant 0 : i32
    %dma_start3A_19 = tpu.memref_slice %arg6[%dma_start3A_17, %dma_start3A_18] : memref<1000x128xf32, #tpu.memory_space<vmem_shared>> -> memref<1000x128xf32, #tpu.memory_space<vmem_shared>>
    tpu.enqueue_indirect_dma source(%dma_start3A_19 : memref<1000x128xf32, #tpu.memory_space<vmem_shared>>) target(%dma_start3A_14 : memref<128x128xf32, #tpu.memory_space<vmem>>) offsets(%dma_start3A_16 : memref<128xi32, #tpu.memory_space<vmem>>) semaphore(%arg12 : memref<!tpu.dma_semaphore, #tpu.memory_space<semaphore_mem>>)
    %dma_start3A_20 = arith.constant 0 : i32
    %dma_start3A_21 = arith.constant 0 : i32
    %dma_start3A_22 = tpu.memref_slice %arg9[%dma_start3A_20, %dma_start3A_21] : memref<128x128xf32, #tpu.memory_space<vmem>> -> memref<128x128xf32, #tpu.memory_space<vmem>>
    %dma_start3A_23 = arith.constant 256 : i32
    %dma_start3A_24 = tpu.memref_slice %arg5[%dma_start3A_23] : memref<1280xi32, #tpu.memory_space<vmem>> -> memref<128xi32, #tpu.memory_space<vmem>>
    %dma_start3A_25 = arith.constant 0 : i32
    %dma_start3A_26 = arith.constant 0 : i32
    %dma_start3A_27 = tpu.memref_slice %arg6[%dma_start3A_25, %dma_start3A_26] : memref<1000x128xf32, #tpu.memory_space<vmem_shared>> -> memref<1000x128xf32, #tpu.memory_space<vmem_shared>>
    tpu.enqueue_indirect_dma source(%dma_start3A_27 : memref<1000x128xf32, #tpu.memory_space<vmem_shared>>) target(%dma_start3A_22 : memref<128x128xf32, #tpu.memory_space<vmem>>) offsets(%dma_start3A_24 : memref<128xi32, #tpu.memory_space<vmem>>) semaphore(%arg13 : memref<!tpu.dma_semaphore, #tpu.memory_space<semaphore_mem>>)
    %dma_wait3A = arith.constant 0 : i32
    %dma_wait3A_28 = arith.constant 0 : i32
    %dma_wait3A_29 = tpu.memref_slice %arg7[%dma_wait3A, %dma_wait3A_28] : memref<128x128xf32, #tpu.memory_space<vmem>> -> memref<128x128xf32, #tpu.memory_space<vmem>>
    %dma_wait3A_30 = arith.constant 0 : i32
    %dma_wait3A_31 = tpu.memref_slice %arg5[%dma_wait3A_30] : memref<1280xi32, #tpu.memory_space<vmem>> -> memref<128xi32, #tpu.memory_space<vmem>>
    %dma_wait3A_32 = arith.constant 0 : i32
    %dma_wait3A_33 = arith.constant 0 : i32
    %dma_wait3A_34 = tpu.memref_slice %arg6[%dma_wait3A_32, %dma_wait3A_33] : memref<1000x128xf32, #tpu.memory_space<vmem_shared>> -> memref<1000x128xf32, #tpu.memory_space<vmem_shared>>
    tpu.wait_indirect_dma semaphore(%arg11 : memref<!tpu.dma_semaphore, #tpu.memory_space<semaphore_mem>>) src(%dma_wait3A_34 : memref<1000x128xf32, #tpu.memory_space<vmem_shared>>) dst(%dma_wait3A_29 : memref<128x128xf32, #tpu.memory_space<vmem>>)
    %add3A_35 = arith.constant 0 : i32
    %add3A_36 = arith.addi %mul3A_2, %add3A_35 : i32
    %dma_start3A_37 = arith.constant 0 : i32
    %dma_start3A_38 = arith.constant 0 : i32
    %dma_start3A_39 = tpu.memref_slice %arg7[%dma_start3A_37, %dma_start3A_38] : memref<128x128xf32, #tpu.memory_space<vmem>> -> memref<128x128xf32, #tpu.memory_space<vmem>>
    %dma_start3A_40 = arith.constant 0 : i32
    %dma_start3A_41 = tpu.memref_slice %arg4[%add3A_36, %dma_start3A_40] : memref<40960x128xf32, #tpu.memory_space<hbm>> -> memref<128x128xf32, #tpu.memory_space<hbm>>
    %dma_start3A_42 = arith.constant 0 : i32
    %dma_start3A_43 = tpu.memref_slice %arg4[%add3A_36, %dma_start3A_42] : memref<40960x128xf32, #tpu.memory_space<hbm>> -> memref<128x128xf32, #tpu.memory_space<hbm>>
    %dma_start3A_44 = arith.constant 0 : i32
    %dma_start3A_45 = arith.constant 0 : i32
    %dma_start3A_46 = tpu.memref_slice %arg7[%dma_start3A_44, %dma_start3A_45] : memref<128x128xf32, #tpu.memory_space<vmem>> -> memref<128x128xf32, #tpu.memory_space<vmem>>
    tpu.enqueue_dma source(%dma_start3A_46 : memref<128x128xf32, #tpu.memory_space<vmem>>) target(%dma_start3A_43 : memref<128x128xf32, #tpu.memory_space<hbm>>) target_semaphore(%arg15 : memref<!tpu.dma_semaphore, #tpu.memory_space<semaphore_mem>>)
    %dma_start3A_47 = arith.constant 0 : i32
    %dma_start3A_48 = arith.constant 0 : i32
    %dma_start3A_49 = tpu.memref_slice %arg10[%dma_start3A_47, %dma_start3A_48] : memref<128x128xf32, #tpu.memory_space<vmem>> -> memref<128x128xf32, #tpu.memory_space<vmem>>
    %dma_start3A_50 = arith.constant 384 : i32
    %dma_start3A_51 = tpu.memref_slice %arg5[%dma_start3A_50] : memref<1280xi32, #tpu.memory_space<vmem>> -> memref<128xi32, #tpu.memory_space<vmem>>
    %dma_start3A_52 = arith.constant 0 : i32
    %dma_start3A_53 = arith.constant 0 : i32
    %dma_start3A_54 = tpu.memref_slice %arg6[%dma_start3A_52, %dma_start3A_53] : memref<1000x128xf32, #tpu.memory_space<vmem_shared>> -> memref<1000x128xf32, #tpu.memory_space<vmem_shared>>
    tpu.enqueue_indirect_dma source(%dma_start3A_54 : memref<1000x128xf32, #tpu.memory_space<vmem_shared>>) target(%dma_start3A_49 : memref<128x128xf32, #tpu.memory_space<vmem>>) offsets(%dma_start3A_51 : memref<128xi32, #tpu.memory_space<vmem>>) semaphore(%arg14 : memref<!tpu.dma_semaphore, #tpu.memory_space<semaphore_mem>>)
    %dma_wait3A_55 = arith.constant 0 : i32
    %dma_wait3A_56 = arith.constant 0 : i32
    %dma_wait3A_57 = tpu.memref_slice %arg8[%dma_wait3A_55, %dma_wait3A_56] : memref<128x128xf32, #tpu.memory_space<vmem>> -> memref<128x128xf32, #tpu.memory_space<vmem>>
    %dma_wait3A_58 = arith.constant 128 : i32
    %dma_wait3A_59 = tpu.memref_slice %arg5[%dma_wait3A_58] : memref<1280xi32, #tpu.memory_space<vmem>> -> memref<128xi32, #tpu.memory_space<vmem>>
    %dma_wait3A_60 = arith.constant 0 : i32
    %dma_wait3A_61 = arith.constant 0 : i32
    %dma_wait3A_62 = tpu.memref_slice %arg6[%dma_wait3A_60, %dma_wait3A_61] : memref<1000x128xf32, #tpu.memory_space<vmem_shared>> -> memref<1000x128xf32, #tpu.memory_space<vmem_shared>>
    tpu.wait_indirect_dma semaphore(%arg12 : memref<!tpu.dma_semaphore, #tpu.memory_space<semaphore_mem>>) src(%dma_wait3A_62 : memref<1000x128xf32, #tpu.memory_space<vmem_shared>>) dst(%dma_wait3A_57 : memref<128x128xf32, #tpu.memory_space<vmem>>)
    %add3A_63 = arith.constant 128 : i32
    %add3A_64 = arith.addi %mul3A_2, %add3A_63 : i32
    %dma_start3A_65 = arith.constant 0 : i32
    %dma_start3A_66 = arith.constant 0 : i32
    %dma_start3A_67 = tpu.memref_slice %arg8[%dma_start3A_65, %dma_start3A_66] : memref<128x128xf32, #tpu.memory_space<vmem>> -> memref<128x128xf32, #tpu.memory_space<vmem>>
    %dma_start3A_68 = arith.constant 0 : i32
    %dma_start3A_69 = tpu.memref_slice %arg4[%add3A_64, %dma_start3A_68] : memref<40960x128xf32, #tpu.memory_space<hbm>> -> memref<128x128xf32, #tpu.memory_space<hbm>>
    %dma_start3A_70 = arith.constant 0 : i32
    %dma_start3A_71 = tpu.memref_slice %arg4[%add3A_64, %dma_start3A_70] : memref<40960x128xf32, #tpu.memory_space<hbm>> -> memref<128x128xf32, #tpu.memory_space<hbm>>
    %dma_start3A_72 = arith.constant 0 : i32
    %dma_start3A_73 = arith.constant 0 : i32
    %dma_start3A_74 = tpu.memref_slice %arg8[%dma_start3A_72, %dma_start3A_73] : memref<128x128xf32, #tpu.memory_space<vmem>> -> memref<128x128xf32, #tpu.memory_space<vmem>>
    tpu.enqueue_dma source(%dma_start3A_74 : memref<128x128xf32, #tpu.memory_space<vmem>>) target(%dma_start3A_71 : memref<128x128xf32, #tpu.memory_space<hbm>>) target_semaphore(%arg16 : memref<!tpu.dma_semaphore, #tpu.memory_space<semaphore_mem>>)
    %dma_wait3A_75 = arith.constant 0 : i32
    %dma_wait3A_76 = arith.constant 0 : i32
    %dma_wait3A_77 = tpu.memref_slice %arg7[%dma_wait3A_75, %dma_wait3A_76] : memref<128x128xf32, #tpu.memory_space<vmem>> -> memref<128x128xf32, #tpu.memory_space<vmem>>
    %dma_wait3A_78 = arith.constant 0 : i32
    %dma_wait3A_79 = tpu.memref_slice %arg4[%add3A_36, %dma_wait3A_78] : memref<40960x128xf32, #tpu.memory_space<hbm>> -> memref<128x128xf32, #tpu.memory_space<hbm>>
    %dma_wait3A_80 = arith.constant 0 : i32
    %dma_wait3A_81 = tpu.memref_slice %arg4[%add3A_36, %dma_wait3A_80] : memref<40960x128xf32, #tpu.memory_space<hbm>> -> memref<128x128xf32, #tpu.memory_space<hbm>>
    %dma_wait3A_82 = arith.constant 0 : i32
    %dma_wait3A_83 = arith.constant 0 : i32
    %dma_wait3A_84 = tpu.memref_slice %arg7[%dma_wait3A_82, %dma_wait3A_83] : memref<128x128xf32, #tpu.memory_space<vmem>> -> memref<128x128xf32, #tpu.memory_space<vmem>>
    tpu.wait_dma2 semaphore(%arg15 : memref<!tpu.dma_semaphore, #tpu.memory_space<semaphore_mem>>) src(%dma_wait3A_84 : memref<128x128xf32, #tpu.memory_space<vmem>>) dst(%dma_wait3A_81 : memref<128x128xf32, #tpu.memory_space<hbm>>)
    %dma_start3A_85 = arith.constant 0 : i32
    %dma_start3A_86 = arith.constant 0 : i32
    %dma_start3A_87 = tpu.memref_slice %arg7[%dma_start3A_85, %dma_start3A_86] : memref<128x128xf32, #tpu.memory_space<vmem>> -> memref<128x128xf32, #tpu.memory_space<vmem>>
    %dma_start3A_88 = arith.constant 512 : i32
    %dma_start3A_89 = tpu.memref_slice %arg5[%dma_start3A_88] : memref<1280xi32, #tpu.memory_space<vmem>> -> memref<128xi32, #tpu.memory_space<vmem>>
    %dma_start3A_90 = arith.constant 0 : i32
    %dma_start3A_91 = arith.constant 0 : i32
    %dma_start3A_92 = tpu.memref_slice %arg6[%dma_start3A_90, %dma_start3A_91] : memref<1000x128xf32, #tpu.memory_space<vmem_shared>> -> memref<1000x128xf32, #tpu.memory_space<vmem_shared>>
    tpu.enqueue_indirect_dma source(%dma_start3A_92 : memref<1000x128xf32, #tpu.memory_space<vmem_shared>>) target(%dma_start3A_87 : memref<128x128xf32, #tpu.memory_space<vmem>>) offsets(%dma_start3A_89 : memref<128xi32, #tpu.memory_space<vmem>>) semaphore(%arg11 : memref<!tpu.dma_semaphore, #tpu.memory_space<semaphore_mem>>)
    %dma_wait3A_93 = arith.constant 0 : i32
    %dma_wait3A_94 = arith.constant 0 : i32
    %dma_wait3A_95 = tpu.memref_slice %arg9[%dma_wait3A_93, %dma_wait3A_94] : memref<128x128xf32, #tpu.memory_space<vmem>> -> memref<128x128xf32, #tpu.memory_space<vmem>>
    %dma_wait3A_96 = arith.constant 256 : i32
    %dma_wait3A_97 = tpu.memref_slice %arg5[%dma_wait3A_96] : memref<1280xi32, #tpu.memory_space<vmem>> -> memref<128xi32, #tpu.memory_space<vmem>>
    %dma_wait3A_98 = arith.constant 0 : i32
    %dma_wait3A_99 = arith.constant 0 : i32
    %dma_wait3A_100 = tpu.memref_slice %arg6[%dma_wait3A_98, %dma_wait3A_99] : memref<1000x128xf32, #tpu.memory_space<vmem_shared>> -> memref<1000x128xf32, #tpu.memory_space<vmem_shared>>
    tpu.wait_indirect_dma semaphore(%arg13 : memref<!tpu.dma_semaphore, #tpu.memory_space<semaphore_mem>>) src(%dma_wait3A_100 : memref<1000x128xf32, #tpu.memory_space<vmem_shared>>) dst(%dma_wait3A_95 : memref<128x128xf32, #tpu.memory_space<vmem>>)
    %add3A_101 = arith.constant 256 : i32
    %add3A_102 = arith.addi %mul3A_2, %add3A_101 : i32
    %dma_start3A_103 = arith.constant 0 : i32
    %dma_start3A_104 = arith.constant 0 : i32
    %dma_start3A_105 = tpu.memref_slice %arg9[%dma_start3A_103, %dma_start3A_104] : memref<128x128xf32, #tpu.memory_space<vmem>> -> memref<128x128xf32, #tpu.memory_space<vmem>>
    %dma_start3A_106 = arith.constant 0 : i32
    %dma_start3A_107 = tpu.memref_slice %arg4[%add3A_102, %dma_start3A_106] : memref<40960x128xf32, #tpu.memory_space<hbm>> -> memref<128x128xf32, #tpu.memory_space<hbm>>
    %dma_start3A_108 = arith.constant 0 : i32
    %dma_start3A_109 = tpu.memref_slice %arg4[%add3A_102, %dma_start3A_108] : memref<40960x128xf32, #tpu.memory_space<hbm>> -> memref<128x128xf32, #tpu.memory_space<hbm>>
    %dma_start3A_110 = arith.constant 0 : i32
    %dma_start3A_111 = arith.constant 0 : i32
    %dma_start3A_112 = tpu.memref_slice %arg9[%dma_start3A_110, %dma_start3A_111] : memref<128x128xf32, #tpu.memory_space<vmem>> -> memref<128x128xf32, #tpu.memory_space<vmem>>
    tpu.enqueue_dma source(%dma_start3A_112 : memref<128x128xf32, #tpu.memory_space<vmem>>) target(%dma_start3A_109 : memref<128x128xf32, #tpu.memory_space<hbm>>) target_semaphore(%arg17 : memref<!tpu.dma_semaphore, #tpu.memory_space<semaphore_mem>>)
    %dma_wait3A_113 = arith.constant 0 : i32
    %dma_wait3A_114 = arith.constant 0 : i32
    %dma_wait3A_115 = tpu.memref_slice %arg8[%dma_wait3A_113, %dma_wait3A_114] : memref<128x128xf32, #tpu.memory_space<vmem>> -> memref<128x128xf32, #tpu.memory_space<vmem>>
    %dma_wait3A_116 = arith.constant 0 : i32
    %dma_wait3A_117 = tpu.memref_slice %arg4[%add3A_64, %dma_wait3A_116] : memref<40960x128xf32, #tpu.memory_space<hbm>> -> memref<128x128xf32, #tpu.memory_space<hbm>>
    %dma_wait3A_118 = arith.constant 0 : i32
    %dma_wait3A_119 = tpu.memref_slice %arg4[%add3A_64, %dma_wait3A_118] : memref<40960x128xf32, #tpu.memory_space<hbm>> -> memref<128x128xf32, #tpu.memory_space<hbm>>
    %dma_wait3A_120 = arith.constant 0 : i32
    %dma_wait3A_121 = arith.constant 0 : i32
    %dma_wait3A_122 = tpu.memref_slice %arg8[%dma_wait3A_120, %dma_wait3A_121] : memref<128x128xf32, #tpu.memory_space<vmem>> -> memref<128x128xf32, #tpu.memory_space<vmem>>
    tpu.wait_dma2 semaphore(%arg16 : memref<!tpu.dma_semaphore, #tpu.memory_space<semaphore_mem>>) src(%dma_wait3A_122 : memref<128x128xf32, #tpu.memory_space<vmem>>) dst(%dma_wait3A_119 : memref<128x128xf32, #tpu.memory_space<hbm>>)
    %dma_start3A_123 = arith.constant 0 : i32
    %dma_start3A_124 = arith.constant 0 : i32
    %dma_start3A_125 = tpu.memref_slice %arg8[%dma_start3A_123, %dma_start3A_124] : memref<128x128xf32, #tpu.memory_space<vmem>> -> memref<128x128xf32, #tpu.memory_space<vmem>>
    %dma_start3A_126 = arith.constant 640 : i32
    %dma_start3A_127 = tpu.memref_slice %arg5[%dma_start3A_126] : memref<1280xi32, #tpu.memory_space<vmem>> -> memref<128xi32, #tpu.memory_space<vmem>>
    %dma_start3A_128 = arith.constant 0 : i32
    %dma_start3A_129 = arith.constant 0 : i32
    %dma_start3A_130 = tpu.memref_slice %arg6[%dma_start3A_128, %dma_start3A_129] : memref<1000x128xf32, #tpu.memory_space<vmem_shared>> -> memref<1000x128xf32, #tpu.memory_space<vmem_shared>>
    tpu.enqueue_indirect_dma source(%dma_start3A_130 : memref<1000x128xf32, #tpu.memory_space<vmem_shared>>) target(%dma_start3A_125 : memref<128x128xf32, #tpu.memory_space<vmem>>) offsets(%dma_start3A_127 : memref<128xi32, #tpu.memory_space<vmem>>) semaphore(%arg12 : memref<!tpu.dma_semaphore, #tpu.memory_space<semaphore_mem>>)
    %dma_wait3A_131 = arith.constant 0 : i32
    %dma_wait3A_132 = arith.constant 0 : i32
    %dma_wait3A_133 = tpu.memref_slice %arg10[%dma_wait3A_131, %dma_wait3A_132] : memref<128x128xf32, #tpu.memory_space<vmem>> -> memref<128x128xf32, #tpu.memory_space<vmem>>
    %dma_wait3A_134 = arith.constant 384 : i32
    %dma_wait3A_135 = tpu.memref_slice %arg5[%dma_wait3A_134] : memref<1280xi32, #tpu.memory_space<vmem>> -> memref<128xi32, #tpu.memory_space<vmem>>
    %dma_wait3A_136 = arith.constant 0 : i32
    %dma_wait3A_137 = arith.constant 0 : i32
    %dma_wait3A_138 = tpu.memref_slice %arg6[%dma_wait3A_136, %dma_wait3A_137] : memref<1000x128xf32, #tpu.memory_space<vmem_shared>> -> memref<1000x128xf32, #tpu.memory_space<vmem_shared>>
    tpu.wait_indirect_dma semaphore(%arg14 : memref<!tpu.dma_semaphore, #tpu.memory_space<semaphore_mem>>) src(%dma_wait3A_138 : memref<1000x128xf32, #tpu.memory_space<vmem_shared>>) dst(%dma_wait3A_133 : memref<128x128xf32, #tpu.memory_space<vmem>>)
    %add3A_139 = arith.constant 384 : i32
    %add3A_140 = arith.addi %mul3A_2, %add3A_139 : i32
    %dma_start3A_141 = arith.constant 0 : i32
    %dma_start3A_142 = arith.constant 0 : i32
    %dma_start3A_143 = tpu.memref_slice %arg10[%dma_start3A_141, %dma_start3A_142] : memref<128x128xf32, #tpu.memory_space<vmem>> -> memref<128x128xf32, #tpu.memory_space<vmem>>
    %dma_start3A_144 = arith.constant 0 : i32
    %dma_start3A_145 = tpu.memref_slice %arg4[%add3A_140, %dma_start3A_144] : memref<40960x128xf32, #tpu.memory_space<hbm>> -> memref<128x128xf32, #tpu.memory_space<hbm>>
    %dma_start3A_146 = arith.constant 0 : i32
    %dma_start3A_147 = tpu.memref_slice %arg4[%add3A_140, %dma_start3A_146] : memref<40960x128xf32, #tpu.memory_space<hbm>> -> memref<128x128xf32, #tpu.memory_space<hbm>>
    %dma_start3A_148 = arith.constant 0 : i32
    %dma_start3A_149 = arith.constant 0 : i32
    %dma_start3A_150 = tpu.memref_slice %arg10[%dma_start3A_148, %dma_start3A_149] : memref<128x128xf32, #tpu.memory_space<vmem>> -> memref<128x128xf32, #tpu.memory_space<vmem>>
    tpu.enqueue_dma source(%dma_start3A_150 : memref<128x128xf32, #tpu.memory_space<vmem>>) target(%dma_start3A_147 : memref<128x128xf32, #tpu.memory_space<hbm>>) target_semaphore(%arg18 : memref<!tpu.dma_semaphore, #tpu.memory_space<semaphore_mem>>)
    %dma_wait3A_151 = arith.constant 0 : i32
    %dma_wait3A_152 = arith.constant 0 : i32
    %dma_wait3A_153 = tpu.memref_slice %arg9[%dma_wait3A_151, %dma_wait3A_152] : memref<128x128xf32, #tpu.memory_space<vmem>> -> memref<128x128xf32, #tpu.memory_space<vmem>>
    %dma_wait3A_154 = arith.constant 0 : i32
    %dma_wait3A_155 = tpu.memref_slice %arg4[%add3A_102, %dma_wait3A_154] : memref<40960x128xf32, #tpu.memory_space<hbm>> -> memref<128x128xf32, #tpu.memory_space<hbm>>
    %dma_wait3A_156 = arith.constant 0 : i32
    %dma_wait3A_157 = tpu.memref_slice %arg4[%add3A_102, %dma_wait3A_156] : memref<40960x128xf32, #tpu.memory_space<hbm>> -> memref<128x128xf32, #tpu.memory_space<hbm>>
    %dma_wait3A_158 = arith.constant 0 : i32
    %dma_wait3A_159 = arith.constant 0 : i32
    %dma_wait3A_160 = tpu.memref_slice %arg9[%dma_wait3A_158, %dma_wait3A_159] : memref<128x128xf32, #tpu.memory_space<vmem>> -> memref<128x128xf32, #tpu.memory_space<vmem>>
    tpu.wait_dma2 semaphore(%arg17 : memref<!tpu.dma_semaphore, #tpu.memory_space<semaphore_mem>>) src(%dma_wait3A_160 : memref<128x128xf32, #tpu.memory_space<vmem>>) dst(%dma_wait3A_157 : memref<128x128xf32, #tpu.memory_space<hbm>>)
    %dma_start3A_161 = arith.constant 0 : i32
    %dma_start3A_162 = arith.constant 0 : i32
    %dma_start3A_163 = tpu.memref_slice %arg9[%dma_start3A_161, %dma_start3A_162] : memref<128x128xf32, #tpu.memory_space<vmem>> -> memref<128x128xf32, #tpu.memory_space<vmem>>
    %dma_start3A_164 = arith.constant 768 : i32
    %dma_start3A_165 = tpu.memref_slice %arg5[%dma_start3A_164] : memref<1280xi32, #tpu.memory_space<vmem>> -> memref<128xi32, #tpu.memory_space<vmem>>
    %dma_start3A_166 = arith.constant 0 : i32
    %dma_start3A_167 = arith.constant 0 : i32
    %dma_start3A_168 = tpu.memref_slice %arg6[%dma_start3A_166, %dma_start3A_167] : memref<1000x128xf32, #tpu.memory_space<vmem_shared>> -> memref<1000x128xf32, #tpu.memory_space<vmem_shared>>
    tpu.enqueue_indirect_dma source(%dma_start3A_168 : memref<1000x128xf32, #tpu.memory_space<vmem_shared>>) target(%dma_start3A_163 : memref<128x128xf32, #tpu.memory_space<vmem>>) offsets(%dma_start3A_165 : memref<128xi32, #tpu.memory_space<vmem>>) semaphore(%arg13 : memref<!tpu.dma_semaphore, #tpu.memory_space<semaphore_mem>>)
    %dma_wait3A_169 = arith.constant 0 : i32
    %dma_wait3A_170 = arith.constant 0 : i32
    %dma_wait3A_171 = tpu.memref_slice %arg7[%dma_wait3A_169, %dma_wait3A_170] : memref<128x128xf32, #tpu.memory_space<vmem>> -> memref<128x128xf32, #tpu.memory_space<vmem>>
    %dma_wait3A_172 = arith.constant 512 : i32
    %dma_wait3A_173 = tpu.memref_slice %arg5[%dma_wait3A_172] : memref<1280xi32, #tpu.memory_space<vmem>> -> memref<128xi32, #tpu.memory_space<vmem>>
    %dma_wait3A_174 = arith.constant 0 : i32
    %dma_wait3A_175 = arith.constant 0 : i32
    %dma_wait3A_176 = tpu.memref_slice %arg6[%dma_wait3A_174, %dma_wait3A_175] : memref<1000x128xf32, #tpu.memory_space<vmem_shared>> -> memref<1000x128xf32, #tpu.memory_space<vmem_shared>>
    tpu.wait_indirect_dma semaphore(%arg11 : memref<!tpu.dma_semaphore, #tpu.memory_space<semaphore_mem>>) src(%dma_wait3A_176 : memref<1000x128xf32, #tpu.memory_space<vmem_shared>>) dst(%dma_wait3A_171 : memref<128x128xf32, #tpu.memory_space<vmem>>)
    %add3A_177 = arith.constant 512 : i32
    %add3A_178 = arith.addi %mul3A_2, %add3A_177 : i32
    %dma_start3A_179 = arith.constant 0 : i32
    %dma_start3A_180 = arith.constant 0 : i32
    %dma_start3A_181 = tpu.memref_slice %arg7[%dma_start3A_179, %dma_start3A_180] : memref<128x128xf32, #tpu.memory_space<vmem>> -> memref<128x128xf32, #tpu.memory_space<vmem>>
    %dma_start3A_182 = arith.constant 0 : i32
    %dma_start3A_183 = tpu.memref_slice %arg4[%add3A_178, %dma_start3A_182] : memref<40960x128xf32, #tpu.memory_space<hbm>> -> memref<128x128xf32, #tpu.memory_space<hbm>>
    %dma_start3A_184 = arith.constant 0 : i32
    %dma_start3A_185 = tpu.memref_slice %arg4[%add3A_178, %dma_start3A_184] : memref<40960x128xf32, #tpu.memory_space<hbm>> -> memref<128x128xf32, #tpu.memory_space<hbm>>
    %dma_start3A_186 = arith.constant 0 : i32
    %dma_start3A_187 = arith.constant 0 : i32
    %dma_start3A_188 = tpu.memref_slice %arg7[%dma_start3A_186, %dma_start3A_187] : memref<128x128xf32, #tpu.memory_space<vmem>> -> memref<128x128xf32, #tpu.memory_space<vmem>>
    tpu.enqueue_dma source(%dma_start3A_188 : memref<128x128xf32, #tpu.memory_space<vmem>>) target(%dma_start3A_185 : memref<128x128xf32, #tpu.memory_space<hbm>>) target_semaphore(%arg15 : memref<!tpu.dma_semaphore, #tpu.memory_space<semaphore_mem>>)
    %dma_wait3A_189 = arith.constant 0 : i32
    %dma_wait3A_190 = arith.constant 0 : i32
    %dma_wait3A_191 = tpu.memref_slice %arg10[%dma_wait3A_189, %dma_wait3A_190] : memref<128x128xf32, #tpu.memory_space<vmem>> -> memref<128x128xf32, #tpu.memory_space<vmem>>
    %dma_wait3A_192 = arith.constant 0 : i32
    %dma_wait3A_193 = tpu.memref_slice %arg4[%add3A_140, %dma_wait3A_192] : memref<40960x128xf32, #tpu.memory_space<hbm>> -> memref<128x128xf32, #tpu.memory_space<hbm>>
    %dma_wait3A_194 = arith.constant 0 : i32
    %dma_wait3A_195 = tpu.memref_slice %arg4[%add3A_140, %dma_wait3A_194] : memref<40960x128xf32, #tpu.memory_space<hbm>> -> memref<128x128xf32, #tpu.memory_space<hbm>>
    %dma_wait3A_196 = arith.constant 0 : i32
    %dma_wait3A_197 = arith.constant 0 : i32
    %dma_wait3A_198 = tpu.memref_slice %arg10[%dma_wait3A_196, %dma_wait3A_197] : memref<128x128xf32, #tpu.memory_space<vmem>> -> memref<128x128xf32, #tpu.memory_space<vmem>>
    tpu.wait_dma2 semaphore(%arg18 : memref<!tpu.dma_semaphore, #tpu.memory_space<semaphore_mem>>) src(%dma_wait3A_198 : memref<128x128xf32, #tpu.memory_space<vmem>>) dst(%dma_wait3A_195 : memref<128x128xf32, #tpu.memory_space<hbm>>)
    %dma_start3A_199 = arith.constant 0 : i32
    %dma_start3A_200 = arith.constant 0 : i32
    %dma_start3A_201 = tpu.memref_slice %arg10[%dma_start3A_199, %dma_start3A_200] : memref<128x128xf32, #tpu.memory_space<vmem>> -> memref<128x128xf32, #tpu.memory_space<vmem>>
    %dma_start3A_202 = arith.constant 896 : i32
    %dma_start3A_203 = tpu.memref_slice %arg5[%dma_start3A_202] : memref<1280xi32, #tpu.memory_space<vmem>> -> memref<128xi32, #tpu.memory_space<vmem>>
    %dma_start3A_204 = arith.constant 0 : i32
    %dma_start3A_205 = arith.constant 0 : i32
    %dma_start3A_206 = tpu.memref_slice %arg6[%dma_start3A_204, %dma_start3A_205] : memref<1000x128xf32, #tpu.memory_space<vmem_shared>> -> memref<1000x128xf32, #tpu.memory_space<vmem_shared>>
    tpu.enqueue_indirect_dma source(%dma_start3A_206 : memref<1000x128xf32, #tpu.memory_space<vmem_shared>>) target(%dma_start3A_201 : memref<128x128xf32, #tpu.memory_space<vmem>>) offsets(%dma_start3A_203 : memref<128xi32, #tpu.memory_space<vmem>>) semaphore(%arg14 : memref<!tpu.dma_semaphore, #tpu.memory_space<semaphore_mem>>)
    %dma_wait3A_207 = arith.constant 0 : i32
    %dma_wait3A_208 = arith.constant 0 : i32
    %dma_wait3A_209 = tpu.memref_slice %arg8[%dma_wait3A_207, %dma_wait3A_208] : memref<128x128xf32, #tpu.memory_space<vmem>> -> memref<128x128xf32, #tpu.memory_space<vmem>>
    %dma_wait3A_210 = arith.constant 640 : i32
    %dma_wait3A_211 = tpu.memref_slice %arg5[%dma_wait3A_210] : memref<1280xi32, #tpu.memory_space<vmem>> -> memref<128xi32, #tpu.memory_space<vmem>>
    %dma_wait3A_212 = arith.constant 0 : i32
    %dma_wait3A_213 = arith.constant 0 : i32
    %dma_wait3A_214 = tpu.memref_slice %arg6[%dma_wait3A_212, %dma_wait3A_213] : memref<1000x128xf32, #tpu.memory_space<vmem_shared>> -> memref<1000x128xf32, #tpu.memory_space<vmem_shared>>
    tpu.wait_indirect_dma semaphore(%arg12 : memref<!tpu.dma_semaphore, #tpu.memory_space<semaphore_mem>>) src(%dma_wait3A_214 : memref<1000x128xf32, #tpu.memory_space<vmem_shared>>) dst(%dma_wait3A_209 : memref<128x128xf32, #tpu.memory_space<vmem>>)
    %add3A_215 = arith.constant 640 : i32
    %add3A_216 = arith.addi %mul3A_2, %add3A_215 : i32
    %dma_start3A_217 = arith.constant 0 : i32
    %dma_start3A_218 = arith.constant 0 : i32
    %dma_start3A_219 = tpu.memref_slice %arg8[%dma_start3A_217, %dma_start3A_218] : memref<128x128xf32, #tpu.memory_space<vmem>> -> memref<128x128xf32, #tpu.memory_space<vmem>>
    %dma_start3A_220 = arith.constant 0 : i32
    %dma_start3A_221 = tpu.memref_slice %arg4[%add3A_216, %dma_start3A_220] : memref<40960x128xf32, #tpu.memory_space<hbm>> -> memref<128x128xf32, #tpu.memory_space<hbm>>
    %dma_start3A_222 = arith.constant 0 : i32
    %dma_start3A_223 = tpu.memref_slice %arg4[%add3A_216, %dma_start3A_222] : memref<40960x128xf32, #tpu.memory_space<hbm>> -> memref<128x128xf32, #tpu.memory_space<hbm>>
    %dma_start3A_224 = arith.constant 0 : i32
    %dma_start3A_225 = arith.constant 0 : i32
    %dma_start3A_226 = tpu.memref_slice %arg8[%dma_start3A_224, %dma_start3A_225] : memref<128x128xf32, #tpu.memory_space<vmem>> -> memref<128x128xf32, #tpu.memory_space<vmem>>
    tpu.enqueue_dma source(%dma_start3A_226 : memref<128x128xf32, #tpu.memory_space<vmem>>) target(%dma_start3A_223 : memref<128x128xf32, #tpu.memory_space<hbm>>) target_semaphore(%arg16 : memref<!tpu.dma_semaphore, #tpu.memory_space<semaphore_mem>>)
    %dma_wait3A_227 = arith.constant 0 : i32
    %dma_wait3A_228 = arith.constant 0 : i32
    %dma_wait3A_229 = tpu.memref_slice %arg7[%dma_wait3A_227, %dma_wait3A_228] : memref<128x128xf32, #tpu.memory_space<vmem>> -> memref<128x128xf32, #tpu.memory_space<vmem>>
    %dma_wait3A_230 = arith.constant 0 : i32
    %dma_wait3A_231 = tpu.memref_slice %arg4[%add3A_178, %dma_wait3A_230] : memref<40960x128xf32, #tpu.memory_space<hbm>> -> memref<128x128xf32, #tpu.memory_space<hbm>>
    %dma_wait3A_232 = arith.constant 0 : i32
    %dma_wait3A_233 = tpu.memref_slice %arg4[%add3A_178, %dma_wait3A_232] : memref<40960x128xf32, #tpu.memory_space<hbm>> -> memref<128x128xf32, #tpu.memory_space<hbm>>
    %dma_wait3A_234 = arith.constant 0 : i32
    %dma_wait3A_235 = arith.constant 0 : i32
    %dma_wait3A_236 = tpu.memref_slice %arg7[%dma_wait3A_234, %dma_wait3A_235] : memref<128x128xf32, #tpu.memory_space<vmem>> -> memref<128x128xf32, #tpu.memory_space<vmem>>
    tpu.wait_dma2 semaphore(%arg15 : memref<!tpu.dma_semaphore, #tpu.memory_space<semaphore_mem>>) src(%dma_wait3A_236 : memref<128x128xf32, #tpu.memory_space<vmem>>) dst(%dma_wait3A_233 : memref<128x128xf32, #tpu.memory_space<hbm>>)
    %dma_start3A_237 = arith.constant 0 : i32
    %dma_start3A_238 = arith.constant 0 : i32
    %dma_start3A_239 = tpu.memref_slice %arg7[%dma_start3A_237, %dma_start3A_238] : memref<128x128xf32, #tpu.memory_space<vmem>> -> memref<128x128xf32, #tpu.memory_space<vmem>>
    %dma_start3A_240 = arith.constant 1024 : i32
    %dma_start3A_241 = tpu.memref_slice %arg5[%dma_start3A_240] : memref<1280xi32, #tpu.memory_space<vmem>> -> memref<128xi32, #tpu.memory_space<vmem>>
    %dma_start3A_242 = arith.constant 0 : i32
    %dma_start3A_243 = arith.constant 0 : i32
    %dma_start3A_244 = tpu.memref_slice %arg6[%dma_start3A_242, %dma_start3A_243] : memref<1000x128xf32, #tpu.memory_space<vmem_shared>> -> memref<1000x128xf32, #tpu.memory_space<vmem_shared>>
    tpu.enqueue_indirect_dma source(%dma_start3A_244 : memref<1000x128xf32, #tpu.memory_space<vmem_shared>>) target(%dma_start3A_239 : memref<128x128xf32, #tpu.memory_space<vmem>>) offsets(%dma_start3A_241 : memref<128xi32, #tpu.memory_space<vmem>>) semaphore(%arg11 : memref<!tpu.dma_semaphore, #tpu.memory_space<semaphore_mem>>)
    %dma_wait3A_245 = arith.constant 0 : i32
    %dma_wait3A_246 = arith.constant 0 : i32
    %dma_wait3A_247 = tpu.memref_slice %arg9[%dma_wait3A_245, %dma_wait3A_246] : memref<128x128xf32, #tpu.memory_space<vmem>> -> memref<128x128xf32, #tpu.memory_space<vmem>>
    %dma_wait3A_248 = arith.constant 768 : i32
    %dma_wait3A_249 = tpu.memref_slice %arg5[%dma_wait3A_248] : memref<1280xi32, #tpu.memory_space<vmem>> -> memref<128xi32, #tpu.memory_space<vmem>>
    %dma_wait3A_250 = arith.constant 0 : i32
    %dma_wait3A_251 = arith.constant 0 : i32
    %dma_wait3A_252 = tpu.memref_slice %arg6[%dma_wait3A_250, %dma_wait3A_251] : memref<1000x128xf32, #tpu.memory_space<vmem_shared>> -> memref<1000x128xf32, #tpu.memory_space<vmem_shared>>
    tpu.wait_indirect_dma semaphore(%arg13 : memref<!tpu.dma_semaphore, #tpu.memory_space<semaphore_mem>>) src(%dma_wait3A_252 : memref<1000x128xf32, #tpu.memory_space<vmem_shared>>) dst(%dma_wait3A_247 : memref<128x128xf32, #tpu.memory_space<vmem>>)
    %add3A_253 = arith.constant 768 : i32
    %add3A_254 = arith.addi %mul3A_2, %add3A_253 : i32
    %dma_start3A_255 = arith.constant 0 : i32
    %dma_start3A_256 = arith.constant 0 : i32
    %dma_start3A_257 = tpu.memref_slice %arg9[%dma_start3A_255, %dma_start3A_256] : memref<128x128xf32, #tpu.memory_space<vmem>> -> memref<128x128xf32, #tpu.memory_space<vmem>>
    %dma_start3A_258 = arith.constant 0 : i32
    %dma_start3A_259 = tpu.memref_slice %arg4[%add3A_254, %dma_start3A_258] : memref<40960x128xf32, #tpu.memory_space<hbm>> -> memref<128x128xf32, #tpu.memory_space<hbm>>
    %dma_start3A_260 = arith.constant 0 : i32
    %dma_start3A_261 = tpu.memref_slice %arg4[%add3A_254, %dma_start3A_260] : memref<40960x128xf32, #tpu.memory_space<hbm>> -> memref<128x128xf32, #tpu.memory_space<hbm>>
    %dma_start3A_262 = arith.constant 0 : i32
    %dma_start3A_263 = arith.constant 0 : i32
    %dma_start3A_264 = tpu.memref_slice %arg9[%dma_start3A_262, %dma_start3A_263] : memref<128x128xf32, #tpu.memory_space<vmem>> -> memref<128x128xf32, #tpu.memory_space<vmem>>
    tpu.enqueue_dma source(%dma_start3A_264 : memref<128x128xf32, #tpu.memory_space<vmem>>) target(%dma_start3A_261 : memref<128x128xf32, #tpu.memory_space<hbm>>) target_semaphore(%arg17 : memref<!tpu.dma_semaphore, #tpu.memory_space<semaphore_mem>>)
    %dma_wait3A_265 = arith.constant 0 : i32
    %dma_wait3A_266 = arith.constant 0 : i32
    %dma_wait3A_267 = tpu.memref_slice %arg8[%dma_wait3A_265, %dma_wait3A_266] : memref<128x128xf32, #tpu.memory_space<vmem>> -> memref<128x128xf32, #tpu.memory_space<vmem>>
    %dma_wait3A_268 = arith.constant 0 : i32
    %dma_wait3A_269 = tpu.memref_slice %arg4[%add3A_216, %dma_wait3A_268] : memref<40960x128xf32, #tpu.memory_space<hbm>> -> memref<128x128xf32, #tpu.memory_space<hbm>>
    %dma_wait3A_270 = arith.constant 0 : i32
    %dma_wait3A_271 = tpu.memref_slice %arg4[%add3A_216, %dma_wait3A_270] : memref<40960x128xf32, #tpu.memory_space<hbm>> -> memref<128x128xf32, #tpu.memory_space<hbm>>
    %dma_wait3A_272 = arith.constant 0 : i32
    %dma_wait3A_273 = arith.constant 0 : i32
    %dma_wait3A_274 = tpu.memref_slice %arg8[%dma_wait3A_272, %dma_wait3A_273] : memref<128x128xf32, #tpu.memory_space<vmem>> -> memref<128x128xf32, #tpu.memory_space<vmem>>
    tpu.wait_dma2 semaphore(%arg16 : memref<!tpu.dma_semaphore, #tpu.memory_space<semaphore_mem>>) src(%dma_wait3A_274 : memref<128x128xf32, #tpu.memory_space<vmem>>) dst(%dma_wait3A_271 : memref<128x128xf32, #tpu.memory_space<hbm>>)
    %dma_start3A_275 = arith.constant 0 : i32
    %dma_start3A_276 = arith.constant 0 : i32
    %dma_start3A_277 = tpu.memref_slice %arg8[%dma_start3A_275, %dma_start3A_276] : memref<128x128xf32, #tpu.memory_space<vmem>> -> memref<128x128xf32, #tpu.memory_space<vmem>>
    %dma_start3A_278 = arith.constant 1152 : i32
    %dma_start3A_279 = tpu.memref_slice %arg5[%dma_start3A_278] : memref<1280xi32, #tpu.memory_space<vmem>> -> memref<128xi32, #tpu.memory_space<vmem>>
    %dma_start3A_280 = arith.constant 0 : i32
    %dma_start3A_281 = arith.constant 0 : i32
    %dma_start3A_282 = tpu.memref_slice %arg6[%dma_start3A_280, %dma_start3A_281] : memref<1000x128xf32, #tpu.memory_space<vmem_shared>> -> memref<1000x128xf32, #tpu.memory_space<vmem_shared>>
    tpu.enqueue_indirect_dma source(%dma_start3A_282 : memref<1000x128xf32, #tpu.memory_space<vmem_shared>>) target(%dma_start3A_277 : memref<128x128xf32, #tpu.memory_space<vmem>>) offsets(%dma_start3A_279 : memref<128xi32, #tpu.memory_space<vmem>>) semaphore(%arg12 : memref<!tpu.dma_semaphore, #tpu.memory_space<semaphore_mem>>)
    %dma_wait3A_283 = arith.constant 0 : i32
    %dma_wait3A_284 = arith.constant 0 : i32
    %dma_wait3A_285 = tpu.memref_slice %arg10[%dma_wait3A_283, %dma_wait3A_284] : memref<128x128xf32, #tpu.memory_space<vmem>> -> memref<128x128xf32, #tpu.memory_space<vmem>>
    %dma_wait3A_286 = arith.constant 896 : i32
    %dma_wait3A_287 = tpu.memref_slice %arg5[%dma_wait3A_286] : memref<1280xi32, #tpu.memory_space<vmem>> -> memref<128xi32, #tpu.memory_space<vmem>>
    %dma_wait3A_288 = arith.constant 0 : i32
    %dma_wait3A_289 = arith.constant 0 : i32
    %dma_wait3A_290 = tpu.memref_slice %arg6[%dma_wait3A_288, %dma_wait3A_289] : memref<1000x128xf32, #tpu.memory_space<vmem_shared>> -> memref<1000x128xf32, #tpu.memory_space<vmem_shared>>
    tpu.wait_indirect_dma semaphore(%arg14 : memref<!tpu.dma_semaphore, #tpu.memory_space<semaphore_mem>>) src(%dma_wait3A_290 : memref<1000x128xf32, #tpu.memory_space<vmem_shared>>) dst(%dma_wait3A_285 : memref<128x128xf32, #tpu.memory_space<vmem>>)
    %add3A_291 = arith.constant 896 : i32
    %add3A_292 = arith.addi %mul3A_2, %add3A_291 : i32
    %dma_start3A_293 = arith.constant 0 : i32
    %dma_start3A_294 = arith.constant 0 : i32
    %dma_start3A_295 = tpu.memref_slice %arg10[%dma_start3A_293, %dma_start3A_294] : memref<128x128xf32, #tpu.memory_space<vmem>> -> memref<128x128xf32, #tpu.memory_space<vmem>>
    %dma_start3A_296 = arith.constant 0 : i32
    %dma_start3A_297 = tpu.memref_slice %arg4[%add3A_292, %dma_start3A_296] : memref<40960x128xf32, #tpu.memory_space<hbm>> -> memref<128x128xf32, #tpu.memory_space<hbm>>
    %dma_start3A_298 = arith.constant 0 : i32
    %dma_start3A_299 = tpu.memref_slice %arg4[%add3A_292, %dma_start3A_298] : memref<40960x128xf32, #tpu.memory_space<hbm>> -> memref<128x128xf32, #tpu.memory_space<hbm>>
    %dma_start3A_300 = arith.constant 0 : i32
    %dma_start3A_301 = arith.constant 0 : i32
    %dma_start3A_302 = tpu.memref_slice %arg10[%dma_start3A_300, %dma_start3A_301] : memref<128x128xf32, #tpu.memory_space<vmem>> -> memref<128x128xf32, #tpu.memory_space<vmem>>
    tpu.enqueue_dma source(%dma_start3A_302 : memref<128x128xf32, #tpu.memory_space<vmem>>) target(%dma_start3A_299 : memref<128x128xf32, #tpu.memory_space<hbm>>) target_semaphore(%arg18 : memref<!tpu.dma_semaphore, #tpu.memory_space<semaphore_mem>>)
    %dma_wait3A_303 = arith.constant 0 : i32
    %dma_wait3A_304 = arith.constant 0 : i32
    %dma_wait3A_305 = tpu.memref_slice %arg7[%dma_wait3A_303, %dma_wait3A_304] : memref<128x128xf32, #tpu.memory_space<vmem>> -> memref<128x128xf32, #tpu.memory_space<vmem>>
    %dma_wait3A_306 = arith.constant 1024 : i32
    %dma_wait3A_307 = tpu.memref_slice %arg5[%dma_wait3A_306] : memref<1280xi32, #tpu.memory_space<vmem>> -> memref<128xi32, #tpu.memory_space<vmem>>
    %dma_wait3A_308 = arith.constant 0 : i32
    %dma_wait3A_309 = arith.constant 0 : i32
    %dma_wait3A_310 = tpu.memref_slice %arg6[%dma_wait3A_308, %dma_wait3A_309] : memref<1000x128xf32, #tpu.memory_space<vmem_shared>> -> memref<1000x128xf32, #tpu.memory_space<vmem_shared>>
    tpu.wait_indirect_dma semaphore(%arg11 : memref<!tpu.dma_semaphore, #tpu.memory_space<semaphore_mem>>) src(%dma_wait3A_310 : memref<1000x128xf32, #tpu.memory_space<vmem_shared>>) dst(%dma_wait3A_305 : memref<128x128xf32, #tpu.memory_space<vmem>>)
    %add3A_311 = arith.constant 1024 : i32
    %add3A_312 = arith.addi %mul3A_2, %add3A_311 : i32
    %dma_start3A_313 = arith.constant 0 : i32
    %dma_start3A_314 = arith.constant 0 : i32
    %dma_start3A_315 = tpu.memref_slice %arg7[%dma_start3A_313, %dma_start3A_314] : memref<128x128xf32, #tpu.memory_space<vmem>> -> memref<128x128xf32, #tpu.memory_space<vmem>>
    %dma_start3A_316 = arith.constant 0 : i32
    %dma_start3A_317 = tpu.memref_slice %arg4[%add3A_312, %dma_start3A_316] : memref<40960x128xf32, #tpu.memory_space<hbm>> -> memref<128x128xf32, #tpu.memory_space<hbm>>
    %dma_start3A_318 = arith.constant 0 : i32
    %dma_start3A_319 = tpu.memref_slice %arg4[%add3A_312, %dma_start3A_318] : memref<40960x128xf32, #tpu.memory_space<hbm>> -> memref<128x128xf32, #tpu.memory_space<hbm>>
    %dma_start3A_320 = arith.constant 0 : i32
    %dma_start3A_321 = arith.constant 0 : i32
    %dma_start3A_322 = tpu.memref_slice %arg7[%dma_start3A_320, %dma_start3A_321] : memref<128x128xf32, #tpu.memory_space<vmem>> -> memref<128x128xf32, #tpu.memory_space<vmem>>
    tpu.enqueue_dma source(%dma_start3A_322 : memref<128x128xf32, #tpu.memory_space<vmem>>) target(%dma_start3A_319 : memref<128x128xf32, #tpu.memory_space<hbm>>) target_semaphore(%arg15 : memref<!tpu.dma_semaphore, #tpu.memory_space<semaphore_mem>>)
    %dma_wait3A_323 = arith.constant 0 : i32
    %dma_wait3A_324 = arith.constant 0 : i32
    %dma_wait3A_325 = tpu.memref_slice %arg8[%dma_wait3A_323, %dma_wait3A_324] : memref<128x128xf32, #tpu.memory_space<vmem>> -> memref<128x128xf32, #tpu.memory_space<vmem>>
    %dma_wait3A_326 = arith.constant 1152 : i32
    %dma_wait3A_327 = tpu.memref_slice %arg5[%dma_wait3A_326] : memref<1280xi32, #tpu.memory_space<vmem>> -> memref<128xi32, #tpu.memory_space<vmem>>
    %dma_wait3A_328 = arith.constant 0 : i32
    %dma_wait3A_329 = arith.constant 0 : i32
    %dma_wait3A_330 = tpu.memref_slice %arg6[%dma_wait3A_328, %dma_wait3A_329] : memref<1000x128xf32, #tpu.memory_space<vmem_shared>> -> memref<1000x128xf32, #tpu.memory_space<vmem_shared>>
    tpu.wait_indirect_dma semaphore(%arg12 : memref<!tpu.dma_semaphore, #tpu.memory_space<semaphore_mem>>) src(%dma_wait3A_330 : memref<1000x128xf32, #tpu.memory_space<vmem_shared>>) dst(%dma_wait3A_325 : memref<128x128xf32, #tpu.memory_space<vmem>>)
    %add3A_331 = arith.constant 1152 : i32
    %add3A_332 = arith.addi %mul3A_2, %add3A_331 : i32
    %dma_start3A_333 = arith.constant 0 : i32
    %dma_start3A_334 = arith.constant 0 : i32
    %dma_start3A_335 = tpu.memref_slice %arg8[%dma_start3A_333, %dma_start3A_334] : memref<128x128xf32, #tpu.memory_space<vmem>> -> memref<128x128xf32, #tpu.memory_space<vmem>>
    %dma_start3A_336 = arith.constant 0 : i32
    %dma_start3A_337 = tpu.memref_slice %arg4[%add3A_332, %dma_start3A_336] : memref<40960x128xf32, #tpu.memory_space<hbm>> -> memref<128x128xf32, #tpu.memory_space<hbm>>
    %dma_start3A_338 = arith.constant 0 : i32
    %dma_start3A_339 = tpu.memref_slice %arg4[%add3A_332, %dma_start3A_338] : memref<40960x128xf32, #tpu.memory_space<hbm>> -> memref<128x128xf32, #tpu.memory_space<hbm>>
    %dma_start3A_340 = arith.constant 0 : i32
    %dma_start3A_341 = arith.constant 0 : i32
    %dma_start3A_342 = tpu.memref_slice %arg8[%dma_start3A_340, %dma_start3A_341] : memref<128x128xf32, #tpu.memory_space<vmem>> -> memref<128x128xf32, #tpu.memory_space<vmem>>
    tpu.enqueue_dma source(%dma_start3A_342 : memref<128x128xf32, #tpu.memory_space<vmem>>) target(%dma_start3A_339 : memref<128x128xf32, #tpu.memory_space<hbm>>) target_semaphore(%arg16 : memref<!tpu.dma_semaphore, #tpu.memory_space<semaphore_mem>>)
    %dma_wait3A_343 = arith.constant 0 : i32
    %dma_wait3A_344 = arith.constant 0 : i32
    %dma_wait3A_345 = tpu.memref_slice %arg9[%dma_wait3A_343, %dma_wait3A_344] : memref<128x128xf32, #tpu.memory_space<vmem>> -> memref<128x128xf32, #tpu.memory_space<vmem>>
    %dma_wait3A_346 = arith.constant 0 : i32
    %dma_wait3A_347 = tpu.memref_slice %arg4[%add3A_254, %dma_wait3A_346] : memref<40960x128xf32, #tpu.memory_space<hbm>> -> memref<128x128xf32, #tpu.memory_space<hbm>>
    %dma_wait3A_348 = arith.constant 0 : i32
    %dma_wait3A_349 = tpu.memref_slice %arg4[%add3A_254, %dma_wait3A_348] : memref<40960x128xf32, #tpu.memory_space<hbm>> -> memref<128x128xf32, #tpu.memory_space<hbm>>
    %dma_wait3A_350 = arith.constant 0 : i32
    %dma_wait3A_351 = arith.constant 0 : i32
    %dma_wait3A_352 = tpu.memref_slice %arg9[%dma_wait3A_350, %dma_wait3A_351] : memref<128x128xf32, #tpu.memory_space<vmem>> -> memref<128x128xf32, #tpu.memory_space<vmem>>
    tpu.wait_dma2 semaphore(%arg17 : memref<!tpu.dma_semaphore, #tpu.memory_space<semaphore_mem>>) src(%dma_wait3A_352 : memref<128x128xf32, #tpu.memory_space<vmem>>) dst(%dma_wait3A_349 : memref<128x128xf32, #tpu.memory_space<hbm>>)
    %dma_wait3A_353 = arith.constant 0 : i32
    %dma_wait3A_354 = arith.constant 0 : i32
    %dma_wait3A_355 = tpu.memref_slice %arg10[%dma_wait3A_353, %dma_wait3A_354] : memref<128x128xf32, #tpu.memory_space<vmem>> -> memref<128x128xf32, #tpu.memory_space<vmem>>
    %dma_wait3A_356 = arith.constant 0 : i32
    %dma_wait3A_357 = tpu.memref_slice %arg4[%add3A_292, %dma_wait3A_356] : memref<40960x128xf32, #tpu.memory_space<hbm>> -> memref<128x128xf32, #tpu.memory_space<hbm>>
    %dma_wait3A_358 = arith.constant 0 : i32
    %dma_wait3A_359 = tpu.memref_slice %arg4[%add3A_292, %dma_wait3A_358] : memref<40960x128xf32, #tpu.memory_space<hbm>> -> memref<128x128xf32, #tpu.memory_space<hbm>>
    %dma_wait3A_360 = arith.constant 0 : i32
    %dma_wait3A_361 = arith.constant 0 : i32
    %dma_wait3A_362 = tpu.memref_slice %arg10[%dma_wait3A_360, %dma_wait3A_361] : memref<128x128xf32, #tpu.memory_space<vmem>> -> memref<128x128xf32, #tpu.memory_space<vmem>>
    tpu.wait_dma2 semaphore(%arg18 : memref<!tpu.dma_semaphore, #tpu.memory_space<semaphore_mem>>) src(%dma_wait3A_362 : memref<128x128xf32, #tpu.memory_space<vmem>>) dst(%dma_wait3A_359 : memref<128x128xf32, #tpu.memory_space<hbm>>)
    %dma_wait3A_363 = arith.constant 0 : i32
    %dma_wait3A_364 = arith.constant 0 : i32
    %dma_wait3A_365 = tpu.memref_slice %arg7[%dma_wait3A_363, %dma_wait3A_364] : memref<128x128xf32, #tpu.memory_space<vmem>> -> memref<128x128xf32, #tpu.memory_space<vmem>>
    %dma_wait3A_366 = arith.constant 0 : i32
    %dma_wait3A_367 = tpu.memref_slice %arg4[%add3A_312, %dma_wait3A_366] : memref<40960x128xf32, #tpu.memory_space<hbm>> -> memref<128x128xf32, #tpu.memory_space<hbm>>
    %dma_wait3A_368 = arith.constant 0 : i32
    %dma_wait3A_369 = tpu.memref_slice %arg4[%add3A_312, %dma_wait3A_368] : memref<40960x128xf32, #tpu.memory_space<hbm>> -> memref<128x128xf32, #tpu.memory_space<hbm>>
    %dma_wait3A_370 = arith.constant 0 : i32
    %dma_wait3A_371 = arith.constant 0 : i32
    %dma_wait3A_372 = tpu.memref_slice %arg7[%dma_wait3A_370, %dma_wait3A_371] : memref<128x128xf32, #tpu.memory_space<vmem>> -> memref<128x128xf32, #tpu.memory_space<vmem>>
    tpu.wait_dma2 semaphore(%arg15 : memref<!tpu.dma_semaphore, #tpu.memory_space<semaphore_mem>>) src(%dma_wait3A_372 : memref<128x128xf32, #tpu.memory_space<vmem>>) dst(%dma_wait3A_369 : memref<128x128xf32, #tpu.memory_space<hbm>>)
    %dma_wait3A_373 = arith.constant 0 : i32
    %dma_wait3A_374 = arith.constant 0 : i32
    %dma_wait3A_375 = tpu.memref_slice %arg8[%dma_wait3A_373, %dma_wait3A_374] : memref<128x128xf32, #tpu.memory_space<vmem>> -> memref<128x128xf32, #tpu.memory_space<vmem>>
    %dma_wait3A_376 = arith.constant 0 : i32
    %dma_wait3A_377 = tpu.memref_slice %arg4[%add3A_332, %dma_wait3A_376] : memref<40960x128xf32, #tpu.memory_space<hbm>> -> memref<128x128xf32, #tpu.memory_space<hbm>>
    %dma_wait3A_378 = arith.constant 0 : i32
    %dma_wait3A_379 = tpu.memref_slice %arg4[%add3A_332, %dma_wait3A_378] : memref<40960x128xf32, #tpu.memory_space<hbm>> -> memref<128x128xf32, #tpu.memory_space<hbm>>
    %dma_wait3A_380 = arith.constant 0 : i32
    %dma_wait3A_381 = arith.constant 0 : i32
    %dma_wait3A_382 = tpu.memref_slice %arg8[%dma_wait3A_380, %dma_wait3A_381] : memref<128x128xf32, #tpu.memory_space<vmem>> -> memref<128x128xf32, #tpu.memory_space<vmem>>
    tpu.wait_dma2 semaphore(%arg16 : memref<!tpu.dma_semaphore, #tpu.memory_space<semaphore_mem>>) src(%dma_wait3A_382 : memref<128x128xf32, #tpu.memory_space<vmem>>) dst(%dma_wait3A_379 : memref<128x128xf32, #tpu.memory_space<hbm>>)
    return
  }
}

module attributes {stable_mosaic.version = 14 : i64} {
  func.func @_tc_matmul_body(%arg0: i32, %arg1: memref<1x1024x128xf32, #tpu.memory_space<vmem>>, %arg2: memref<1000x128xf32, #tpu.memory_space<vmem>>, %arg3: memref<1000x1xf32, #tpu.memory_space<vmem>>, %arg4: memref<1x1000x1024xf32, #tpu.memory_space<vmem>>) attributes {dimension_semantics = [#tpu.dimension_semantics<arbitrary>], iteration_bounds = array<i64: 10>, scalar_prefetch = 0 : i64, scratch_operands = 0 : i64, tpu.core_type = #tpu.core_type<tc>, window_params = [{transform_indices = @transform_0, window_bounds = array<i64: 1, 1024, 128>}, {pipeline_mode = #tpu.pipeline_mode<synchronous>, transform_indices = @transform_1, window_bounds = array<i64: 1000, 128>}, {pipeline_mode = #tpu.pipeline_mode<synchronous>, transform_indices = @transform_2, window_bounds = array<i64: 1000, 1>}, {transform_indices = @transform_3, window_bounds = array<i64: 1, 1000, 1024>}]} {
    %get3A = arith.constant 0 : index
    %get3A_0 = arith.constant 0 : index
    %get3A_1 = vector.load %arg2[%get3A, %get3A_0] : memref<1000x128xf32, #tpu.memory_space<vmem>>, vector<1000x128xf32>
    %get3A_2 = arith.constant 0 : index
    %get3A_3 = arith.constant 0 : index
    %get3A_4 = arith.constant 0 : index
    %get3A_5 = vector.load %arg1[%get3A_2, %get3A_3, %get3A_4] : memref<1x1024x128xf32, #tpu.memory_space<vmem>>, vector<1x1024x128xf32>
    %get3A_6 = vector.shape_cast %get3A_5 : vector<1x1024x128xf32> to vector<1024x128xf32>
    %dot_general3A = arith.constant dense<0.000000e+00> : vector<1000x1024xf32>
    %dot_general3A_7 = tpu.matmul %get3A_1, %get3A_6, %dot_general3A {dimension_numbers = #tpu.dot_dimension_numbers<[1], [1], [0], [0], [0, 0, 1, 0], [], []>, transpose_lhs_hint = false} : vector<1000x128xf32>, vector<1024x128xf32>, vector<1000x1024xf32> -> vector<1000x1024xf32>
    %get3A_8 = arith.constant 0 : index
    %get3A_9 = arith.constant 0 : index
    %get3A_10 = vector.load %arg3[%get3A_8, %get3A_9] : memref<1000x1xf32, #tpu.memory_space<vmem>>, vector<1000x1xf32>
    %add3A = vector.broadcast %get3A_10 : vector<1000x1xf32> to vector<1000x1024xf32>
    %add3A_11 = arith.addf %dot_general3A_7, %add3A : vector<1000x1024xf32>
    %swap3A = arith.constant 0 : index
    %swap3A_12 = arith.constant 0 : index
    %swap3A_13 = arith.constant 0 : index
    %swap3A_14 = vector.load %arg4[%swap3A, %swap3A_12, %swap3A_13] : memref<1x1000x1024xf32, #tpu.memory_space<vmem>>, vector<1x1000x1024xf32>
    %swap3A_15 = vector.shape_cast %swap3A_14 : vector<1x1000x1024xf32> to vector<1000x1024xf32>
    %swap3A_16 = vector.shape_cast %add3A_11 : vector<1000x1024xf32> to vector<1x1000x1024xf32>
    tpu.vector_store %arg4[%swap3A, %swap3A_12, %swap3A_13], %swap3A_16 {strides = array<i32>} : memref<1x1000x1024xf32, #tpu.memory_space<vmem>>, vector<1x1000x1024xf32>,
    return
  }
  func.func @transform_0(%arg0: i32) -> (i32, i32, i32) {
    %c0_i32 = arith.constant 0 : i32
    %c0_i32_0 = arith.constant 0 : i32
    %c0_i32_1 = arith.constant 0 : i32
    return %arg0, %c0_i32, %c0_i32_0 : i32, i32, i32
  }
  func.func @transform_1(%arg0: i32) -> (i32, i32) {
    %c0_i32 = arith.constant 0 : i32
    %c0_i32_0 = arith.constant 0 : i32
    %c0_i32_1 = arith.constant 0 : i32
    return %c0_i32, %c0_i32_0 : i32, i32
  }
  func.func @transform_2(%arg0: i32) -> (i32, i32) {
    %c0_i32 = arith.constant 0 : i32
    %c0_i32_0 = arith.constant 0 : i32
    %c0_i32_1 = arith.constant 0 : i32
    return %c0_i32, %c0_i32_0 : i32, i32
  }
  func.func @transform_3(%arg0: i32) -> (i32, i32, i32) {
    %add3A = arith.constant 0 : i32
    %add3A_0 = arith.addi %arg0, %add3A : i32
    %c0_i32 = arith.constant 0 : i32
    %c0_i32_1 = arith.constant 0 : i32
    %c0_i32_2 = arith.constant 0 : i32
    return %add3A_0, %c0_i32, %c0_i32_1 : i32, i32, i32
  }
}

module attributes {stable_mosaic.version = 14 : i64} {
  func.func @_tc_matmul_body_aliased(%arg0: i32, %arg1: memref<1x1024x128xf32, #tpu.memory_space<vmem>>, %arg2: memref<1000x128xf32, #tpu.memory_space<vmem>>, %arg3: memref<1000x1xf32, #tpu.memory_space<vmem>>, %arg4: memref<50x1000x1024xf32, #tpu.memory_space<any>>, %arg5: memref<1x1000x1024xf32, #tpu.memory_space<vmem>>) attributes {dimension_semantics = [#tpu.dimension_semantics<arbitrary>], iteration_bounds = array<i64: 40>, scalar_prefetch = 0 : i64, scratch_operands = 0 : i64, tpu.core_type = #tpu.core_type<tc>, window_params = [{transform_indices = @transform_0, window_bounds = array<i64: 1, 1024, 128>}, {pipeline_mode = #tpu.pipeline_mode<synchronous>, transform_indices = @transform_1, window_bounds = array<i64: 1000, 128>}, {pipeline_mode = #tpu.pipeline_mode<synchronous>, transform_indices = @transform_2, window_bounds = array<i64: 1000, 1>}, {}, {transform_indices = @transform_4, window_bounds = array<i64: 1, 1000, 1024>}]} {
    %get3A = arith.constant 0 : index
    %get3A_0 = arith.constant 0 : index
    %get3A_1 = vector.load %arg2[%get3A, %get3A_0] : memref<1000x128xf32, #tpu.memory_space<vmem>>, vector<1000x128xf32>
    %get3A_2 = arith.constant 0 : index
    %get3A_3 = arith.constant 0 : index
    %get3A_4 = arith.constant 0 : index
    %get3A_5 = vector.load %arg1[%get3A_2, %get3A_3, %get3A_4] : memref<1x1024x128xf32, #tpu.memory_space<vmem>>, vector<1x1024x128xf32>
    %get3A_6 = vector.shape_cast %get3A_5 : vector<1x1024x128xf32> to vector<1024x128xf32>
    %dot_general3A = arith.constant dense<0.000000e+00> : vector<1000x1024xf32>
    %dot_general3A_7 = tpu.matmul %get3A_1, %get3A_6, %dot_general3A {dimension_numbers = #tpu.dot_dimension_numbers<[1], [1], [0], [0], [0, 0, 1, 0], [], []>, transpose_lhs_hint = false} : vector<1000x128xf32>, vector<1024x128xf32>, vector<1000x1024xf32> -> vector<1000x1024xf32>
    %get3A_8 = arith.constant 0 : index
    %get3A_9 = arith.constant 0 : index
    %get3A_10 = vector.load %arg3[%get3A_8, %get3A_9] : memref<1000x1xf32, #tpu.memory_space<vmem>>, vector<1000x1xf32>
    %add3A = vector.broadcast %get3A_10 : vector<1000x1xf32> to vector<1000x1024xf32>
    %add3A_11 = arith.addf %dot_general3A_7, %add3A : vector<1000x1024xf32>
    %swap3A = arith.constant 0 : index
    %swap3A_12 = arith.constant 0 : index
    %swap3A_13 = arith.constant 0 : index
    %swap3A_14 = vector.load %arg5[%swap3A, %swap3A_12, %swap3A_13] : memref<1x1000x1024xf32, #tpu.memory_space<vmem>>, vector<1x1000x1024xf32>
    %swap3A_15 = vector.shape_cast %swap3A_14 : vector<1x1000x1024xf32> to vector<1000x1024xf32>
    %swap3A_16 = vector.shape_cast %add3A_11 : vector<1000x1024xf32> to vector<1x1000x1024xf32>
    tpu.vector_store %arg5[%swap3A, %swap3A_12, %swap3A_13], %swap3A_16 {strides = array<i32>} : memref<1x1000x1024xf32, #tpu.memory_space<vmem>>, vector<1x1000x1024xf32>,
    return
  }
  func.func @transform_0(%arg0: i32) -> (i32, i32, i32) {
    %c0_i32 = arith.constant 0 : i32
    %c0_i32_0 = arith.constant 0 : i32
    %c0_i32_1 = arith.constant 0 : i32
    return %arg0, %c0_i32, %c0_i32_0 : i32, i32, i32
  }
  func.func @transform_1(%arg0: i32) -> (i32, i32) {
    %c0_i32 = arith.constant 0 : i32
    %c0_i32_0 = arith.constant 0 : i32
    %c0_i32_1 = arith.constant 0 : i32
    return %c0_i32, %c0_i32_0 : i32, i32
  }
  func.func @transform_2(%arg0: i32) -> (i32, i32) {
    %c0_i32 = arith.constant 0 : i32
    %c0_i32_0 = arith.constant 0 : i32
    %c0_i32_1 = arith.constant 0 : i32
    return %c0_i32, %c0_i32_0 : i32, i32
  }
  func.func @transform_4(%arg0: i32) -> (i32, i32, i32) {
    %add3A = arith.constant 10 : i32
    %add3A_0 = arith.addi %arg0, %add3A : i32
    %c0_i32 = arith.constant 0 : i32
    %c0_i32_1 = arith.constant 0 : i32
    %c0_i32_2 = arith.constant 0 : i32
    return %add3A_0, %c0_i32, %c0_i32_1 : i32, i32, i32
  }
}

</mosaic_0001>

<sc_bundles>
// kernel: kernel.6.cloned.1.call-start
scs
__scs_entry_jumppad:
0x0: {  	(pc) =	sbr.rel $0x88, $3  }
0x1: {  	(tag) =	ssettag $0x0;
	lr =	simm.s32 $0x1  }
0x2: {  	[smem:$0x3F9D] =	sst lr;
	_ =	strace $0xD0000000  }
0x3: {  	_ = 	snop  }
0x4: {  	_ = 	snop  }
0x5: {  	_ = 	snop  }
0x6: {  	_ = 	snop  }
0x7: {  	_ = 	snop  }
__scs_overlays_trampoline_lowered:
0x8: {  	[smem:$0x3FAC] =	sst s0  }
0x9: {  	[smem:$0x3FAD] =	sst s1  }
0xa: {  	[smem:$0x3FAE] =	sst s2  }
0xb: {  	[smem:$0x3FAF] =	sst s3  }
0xc: {  	[smem:$0x3FB0] =	sst s4  }
0xd: {  	[smem:$0x3FB1] =	sst s5  }
0xe: {  	[smem:$0x3FB2] =	sst s6  }
0xf: {  	[smem:$0x3FB3] =	sst s7  }
0x10: {  	[smem:$0x3FB4] =	sst s8  }
0x11: {  	[smem:$0x3FB5] =	sst s9;
	s0 =	simm.s32 @!p0 $0x0  }
0x12: {  	s1 =	sld [smem:$0x3F9B];
	s0 =	simm.s32 @p0 $0x1  }
0x13: {  	[smem:$0x3FB6] =	sst s0;
	s0 =	simm.s32 @!p1 $0x0  }
0x14: {  	s2 =	sld [smem:$0x3F9A];
	s0 =	simm.s32 @p1 $0x1  }
0x15: {  	[smem:$0x3FB7] =	sst s0;
	s0 =	simm.s32 @!p2 $0x0  }
0x16: {  	s3 =	sld [smem:$0x3FDB];
	s0 =	simm.s32 @p2 $0x1  }
0x17: {  	s4 =	simm.s32 $0x1BF5;
	[smem:$0x3FB9] =	sst s0  }
0x18: {  	s0 =	sld [smem:$0x3F9C];
	_ =	swait.ge [sflag:s4], $0x0  }
0x19: {  	s7 =	sld [smem:$0x3F9D]  }
0x1a: {  	s8 =	sadd.s32 $0xFFFFE003, lr  }
0x1b: {  	s9 =	sadd.s32 $0xFFFFFEF7, lr;
	s5 =	simm.s32 $0xFFFFFFFF;
	p2 =	slt.u32 s8, $0xFFFFF086  }
0x1c: {  	p1 =	slt.u32 s9, $0xF7A;
	s5 =	simm.s32 @!p2 $0x0  }
0x1d: {  	s5 =	simm.s32 @p1 $0x1;
	p0 =	seq.s32 s7, s2  }
0x1e: {  	s7 =	smul.u32 @!p0 $0xF7A, s2;
	p2 =	seq.s32 @!p0 s5, $0x0  }
0x1f: {  	s9 =	smul.u32 $0xF7A, s1;
	s8 =	simm.s32 @!p0 $0x1BF5;
	p2 =	por !p2, p0  }
0x20: {  	[sflag:s8] =	ssyncset.s32 @!p0 $0xFFFFF086;
	s6 =	sadd.s32 @!p0 s3, s7;
	s7 =	simm.s32 @!p0 $0x108  }
0x21: {  	s3 =	sadd.s32 s3, s9;
	s6 =	sadd.s32 @!p0 $0x88, s6;
	s7 =	simm.s32 @p2 $0x1082  }
0x22: {  	[simem:s7], [sflag:s8] =	dma.local @!p0 [hbm:s6], $0xF7A  }
0x23: {  	s9 =	sor.u32 $0xD0000000, s2;
	s6 =	simm.s32 $0x108;
	_ =	swait.ge @!p0 [sflag:s8], $0x0  }
0x24: {  	s3 =	sadd.s32 $0x88, s3;
	s6 =	simm.s32 @!p1 $0x1082;
	[sflag:s4] =	ssyncset.s32 $0xFFFFF086  }
0x25: {  	[simem:s6], [sflag:s4] =	dma.local [hbm:s3], $0xF7A  }
0x26: {  	[smem:$0x3F9D] =	sst s1;
	(tag) =	ssettag s2;
	_ =	strace s9  }
0x27: {  	s1 =	sld [smem:$0x3FAD]  }
0x28: {  	s2 =	sld [smem:$0x3FAE]  }
0x29: {  	s4 =	sld [smem:$0x3FB0]  }
0x2a: {  	p0 =	seq.s32 s5, $0x0;
	s5 =	sld [smem:$0x3FB1]  }
0x2b: {  	s6 =	sld [smem:$0x3FB2]  }
0x2c: {  	s7 =	sld [smem:$0x3FB3]  }
0x2d: {  	s3 =	simm.s32 $0x108;
	s8 =	sld [smem:$0x3FB4]  }
0x2e: {  	s3 =	simm.s32 @!p0 $0x1082;
	s9 =	sld [smem:$0x3FB5]  }
0x2f: {  	lr =	sadd.s32 s0, s3;
	s0 =	sld [smem:$0x3FAC]  }
0x30: {  	s3 =	sld [smem:$0x3FAF]  }
0x31: {  	[smem:$0x3FB8] =	sst s10  }
0x32: {  	s10 =	sld [smem:$0x3FB6];
	_ =	sdelay $0x3  }
0x33: {  	p0 =	seq.s32 s10, $0x1;
	s10 =	sld [smem:$0x3FB8];
	_ =	sdelay $0x3  }
0x34: {  	[smem:$0x3FB8] =	sst s10  }
0x35: {  	s10 =	sld [smem:$0x3FB7];
	_ =	sdelay $0x3  }
0x36: {  	p1 =	seq.s32 s10, $0x1;
	s10 =	sld [smem:$0x3FB8];
	_ =	sdelay $0x3  }
0x37: {  	[smem:$0x3FB8] =	sst s10  }
0x38: {  	s10 =	sld [smem:$0x3FB9]  }
0x39: {  	_ = 	snop;
	(pc) =	sbr.ind lr, $3  }
0x3a: {  	_ = 	snop  }
0x3b: {  	_ = 	snop  }
0x3c: {  	p2 =	seq.s32 s10, $0x1;
	s10 =	sld [smem:$0x3FB8]  }
0x3d: {  	_ =	shalt  }
0x3e: {  	_ =	shalt  }
0x3f: {  	_ =	shalt  }
0x40: {  	_ =	shalt  }
0x41: {  	_ =	shalt  }
0x42: {  	_ =	shalt  }
0x43: {  	_ =	shalt  }
0x44: {  	_ =	shalt  }
0x45: {  	_ =	shalt  }
0x46: {  	_ =	shalt  }
0x47: {  	_ =	shalt  }
0x48: {  	_ =	shalt  }
0x49: {  	_ =	shalt  }
0x4a: {  	_ =	shalt  }
0x4b: {  	_ =	shalt  }
0x4c: {  	_ =	shalt  }
0x4d: {  	_ =	shalt  }
0x4e: {  	_ =	shalt  }
0x4f: {  	_ =	shalt  }
0x50: {  	_ =	shalt  }
0x51: {  	_ =	shalt  }
0x52: {  	_ =	shalt  }
0x53: {  	_ =	shalt  }
0x54: {  	_ =	shalt  }
0x55: {  	_ =	shalt  }
0x56: {  	_ =	shalt  }
0x57: {  	_ =	shalt  }
0x58: {  	_ =	shalt  }
0x59: {  	_ =	shalt  }
0x5a: {  	_ =	shalt  }
0x5b: {  	_ =	shalt  }
0x5c: {  	_ =	shalt  }
0x5d: {  	_ =	shalt  }
0x5e: {  	_ =	shalt  }
0x5f: {  	_ =	shalt  }
0x60: {  	_ =	shalt  }
0x61: {  	_ =	shalt  }
0x62: {  	_ =	shalt  }
0x63: {  	_ =	shalt  }
0x64: {  	_ =	shalt  }
0x65: {  	_ =	shalt  }
0x66: {  	_ =	shalt  }
0x67: {  	_ =	shalt  }
0x68: {  	_ =	shalt  }
0x69: {  	_ =	shalt  }
0x6a: {  	_ =	shalt  }
0x6b: {  	_ =	shalt  }
0x6c: {  	_ =	shalt  }
0x6d: {  	_ =	shalt  }
0x6e: {  	_ =	shalt  }
0x6f: {  	_ =	shalt  }
0x70: {  	_ =	shalt  }
0x71: {  	_ =	shalt  }
0x72: {  	_ =	shalt  }
0x73: {  	_ =	shalt  }
0x74: {  	_ =	shalt  }
0x75: {  	_ =	shalt  }
0x76: {  	_ =	shalt  }
0x77: {  	_ =	shalt  }
0x78: {  	_ =	shalt  }
0x79: {  	_ =	shalt  }
0x7a: {  	_ =	shalt  }
0x7b: {  	_ =	shalt  }
0x7c: {  	_ =	shalt  }
0x7d: {  	_ =	shalt  }
0x7e: {  	_ =	shalt  }
0x7f: {  	_ =	shalt  }
0x80: {  	_ =	shalt  }
0x81: {  	_ =	shalt  }
0x82: {  	_ =	shalt  }
0x83: {  	_ =	shalt  }
0x84: {  	_ =	shalt  }
0x85: {  	_ =	shalt  }
0x86: {  	_ =	shalt  }
0x87: {  	_ =	shalt  }
.Lfunc_end0:
.L_simem_size_0:
called_computation_lowered:
.L_overlay_start_0:
0x88: {  	s2 =	sld [smem:$0x3FD9]  }
0x89: {  	s3 =	sld [smem:$0x3FFE];
	_ =	sdelay $0x1  }
0x8a: {  	s1 =	srdreg.scid  }
0x8b: {  	s0 =	sand.u32 $0x1, s1  }
0x8c: {  	s17 =	sshll.u32 s0, $0xA;
	s2 =	sadd.s32 s3, s2  }
0x8d: {  	s2 =	sadd.s32 s2, s17  }
0x8e: {  	[smem:$0x3FC4] =	sst s2  }
0x8f: {  	_ = 	snop  }
0x90: {  	s2 =	sld [smem:$0x3FC8]  }
0x91: {  	s18 =	sld [smem:$0x3FD0];
	(tm) =	ssettm $0x1  }
0x92: {  	s4 =	sld [smem:$0x3FFB];
	_ =	sdelay $0x3  }
0x93: {  	_ =	strace s4  }
0x94: {  	s4 =	sld [smem:$0x3FFC];
	_ =	sdelay $0x3  }
0x95: {  	_ =	strace s4  }
0x96: {  	s4 =	sld [smem:$0x3FFD];
	_ =	sdelay $0x3  }
0x97: {  	_ =	strace s4  }
0x98: {  	_ =	strace $0x8FFFFFFF  }
0x99: {  	s19 =	sld [smem:$0x3FDB];
	_ =	sdelay $0x1  }
0x9a: {  	s5 =	simm.s32 $_scs_section_size  }
0x9b: {  	s6 =	simm.s32 $_size__tile_overlayer_lowered;
	s7 =	simm.s32 $_tile_overlayer_lowered  }
0x9c: {  	s22 =	simm.s32 $0x1BFF;
	s21 =	sshll.u32 s7, $0x1;
	s4 =	sadd.s32 s5, s19  }
0x9d: {  	s8 =	simm.s32 $0x0;
	s20 =	sshll.u32 s6, $0x1;
	s6 =	sadd.s32 s21, s4  }
0x9e: {  	[timem:s8], [sflag:s22] =	dma.local [hbm:s6], s20  }
0x9f: {  	_ =	swait.ge [sflag:s22], s20  }
0xa0: {  	s5 =	ssub.s32 $0x0, s20;
	[sflag:s22] =	ssyncset.done $0x0  }
0xa1: {  	[sflag:s22] =	ssyncadd.s32 s5;
	_ =	sdelay $0x1  }
0xa2: {  	s23 =	simm.s32 $0x1B8B  }
0xa3: {  	_ =	swait.ge [sflag:s23], $0x1  }
0xa4: {  	[sflag:s23] =	ssyncset.done $0x0  }
0xa5: {  	s25 =	simm.s32 $0x1B8E;
	s24 =	sld [smem:$0x3FFE];
	[sflag:s23] =	ssyncadd.s32 $0xFFFFFFFF  }
0xa6: {  	s26 =	simm.s32 $execute0_lowered;
	[smem:$0x3FD2] =	sst s25  }
0xa7: {  	s6 =	sshll.u32 s26, $0x1;
	_ =	strace $0x80000046;
	[dreg:$0x1] =	wrdreg $0xFFFFFFFF  }
0xa8: {  	s28 =	simm.s32 $_size_execute0_lowered;
	s4 =	sadd.s32 s4, s6;
	[dreg:$0x0] =	wrdreg $0x0  }
0xa9: {  	s6 =	sshll.u32 s28, $0x1;
	[dreg:$0x2] =	wrdreg s4  }
0xaa: {  	[dreg:$0x3] =	wrdreg s6  }
0xab: {  	[dreg:$0x4] =	wrdreg $0xC0  }
0xac: {  	_ =	task [dreg:s8], $0x5FFFF  }
0xad: {  	[dreg:$0x1] =	wrdreg $0xFFFFFFFF  }
0xae: {  	[dreg:$0x0] =	wrdreg $0x60  }
0xaf: {  	[dreg:$0x2] =	wrdreg s24  }
0xb0: {  	[dreg:$0x3] =	wrdreg s2  }
0xb1: {  	[dreg:$0x4] =	wrdreg s18  }
0xb2: {  	[dreg:$0x5] =	wrdreg $0x1800  }
0xb3: {  	[dreg:$0x6] =	wrdreg $0x9  }
0xb4: {  	_ =	task.clear_ibuf [dreg:s8], $0x7FFFF;
	_ =	strace $0x90000046  }
0xb5: {  	s29 =	simm.s32 $0x9;
	_ =	strace $0x80000048  }
0xb6: {  	_ =	swait.ge [sflag:s29], $0x1  }
0xb7: {  	[sflag:s29] =	ssyncadd.s32 $0xFFFFFFFF  }
0xb8: {  	_ =	strace $0x90000048  }
0xb9: {  	_ =	sfence  }
0xba: {  	s30 =	sld [smem:$0x0];
	_ =	sdelay $0x2  }
0xbb: {  	s31 =	sshll.u32 s1, $0xD;
	s1 =	sshrl.u32 s1, $0x2  }
0xbc: {  	s3 =	sand.u32 $0x4000, s31;
	s1 =	sadd.s32 s1, s30  }
0xbd: {  	s0 =	sor.u32 s3, s0;
	s1 =	sshll.u32 s1, $0x11  }
0xbe: {  	s0 =	sor.u32 s1, s0  }
0xbf: {  	s0 =	sadd.s32 $0x8F2B, s0  }
0xc0: {  	[sflag:s0] =	ssyncadd.remote.s32 $0x1  }
0xc1: {  	_ =	sfence.sel $0xFFFF  }
0xc2: {  	[dreg:$0x0] =	wrdreg $0xFFFFFFFF;
	(pc) =	sbr.abs _section_cstart, $3  }
0xc3: {  	[dreg:$0x1] =	wrdreg $0xFFFFFFFF  }
0xc4: {  	_ =	task.clear_ibuf [dreg:s8], $0x2FFFF;
	_ =	strace $0x9FFFFFFF  }
0xc5: {  	(tm) =	ssettm $0x7FFFFFFF  }
tec
execute0_lowered:
.L_overlay_start_1:
0x0: {  	(tag) =	ssettag $0x1  }
0x1: {  	s4 =	rddreg [dreg:$0x0]  }
0x2: {  	s3 =	rddreg [dreg:$0x1]  }
0x3: {  	s0 =	srdreg.scid;
	s5 =	rddreg [dreg:$0x2]  }
0x4: {  	s7 =	stileid.u32;
	s2 =	rddreg [dreg:$0x3];
	s1 =	simm.s32 $0x0  }
0x5: {  	s17 =	simm.s32 $0x7;
	s16 =	simm.s32 $0x80;
	s12 =	simm.s32 $0x20C0  }
0x6: {  	s18 =	simm.s32 $0x40;
	s6 =	sand.u32 $0x1, s0;
	s28 =	sshll.u32 s7, $0x1  }
0x7: {  	s20 =	simm.s32 $0x100;
	s8 =	sor.u32 s6, s28;
	s6 =	ssub.s32 $0x2, s6  }
0x8: {  	s19 =	simm.s32 $0x1;
	s15 =	simm.s32 $0x2;
	s11 =	sshrl.u32 s6, $0x1  }
0x9: {  	s14 =	simm.s32 $0x3;
	p1 =	por $0x0, $0x0;
	s29 =	ssub.s32 s6, s11  }
0xa: {  	s0 =	rddreg [dreg:$0x4];
	s9 =	smul.u32 $0x28, s8;
	s31 =	smax.u32 s29, $0x1  }
0xb: {  	[smem:$0x7FF] =	sst s1;
	s10 =	smul.u32 $0xA000, s8;
	s24 =	sadd.s32 $0xFFFFFFFF, s31  }
0xc: {  	p0 =	sne.s32 s7, $0x0;
	s8 =	smul.u32 $0x1400, s8;
	p2 =	sne.s32 s24, $0x0  }
.Ltmp0:
0xd: {  	s7 =	simm.s32 $0x6;
	_ =	strace $0x80000047;
	(pc) =	sbr.rel @!p2 .LBB2_3-.Ltmp0, $4  }
0xe: {  	s21 =	sshrl.u32 @!p0 s2, $0x3;
	s11 =	simm.s32 $0x4;
	s4 =	sadd.s32 s9, s4  }
0xf: {  	s10 =	sshrl.u32 s10, $0x3;
	s6 =	sadd.s32 s5, s8;
	s9 =	simm.s32 $0x60C0  }
0x10: {  	s8 =	simm.s32 $0xA0C0;
	s13 =	sadd.s32 $0x1000, s4;
	s30 =	sadd.s32 s5, s10  }
0x11: {  	s10 =	simm.s32 $0x5;
	s5 =	sadd.s32 $0x800, s30;
	s4 =	sadd.s32 $0x1000, s30  }
0x12: {  	s22 =	simm.s32 @!p0 $0x1C07;
	s23 =	simm.s32 @!p0 $0x7  }
0x13: {  	[spmem:s21], [sflag:s22] =	dma.local @!p0 [hbm:s3], $0x3E80  }
0x14: {  	_ =	swait.ge @!p0 [sflag:s23], $0x3E80  }
0x15: {  	[sflag:s23] =	ssyncset.done @!p0 $0x0  }
0x16: {  	[sflag:s23] =	ssyncadd.s32 @!p0 $0xFFFFC180  }
0x17: {  	[tilespmem:s1], [sflag:$0x7] =	stream.linear.gather [hbm4b:s13+s1], $0x140, $0x38;
	[tilespmem:$0xE0C0] =	vst v63  }
0x18: {  	_ =	swait.ge [sflag:s17], $0x140  }
0x19: {  	[sflag:s17] =	ssyncset.done $0x0  }
0x1a: {  	[sflag:s17] =	ssyncadd.s32 $0xFFFFFEC0  }
0x1b: {  	[bflag:$0x0] =	sbarrier.arrive $0xFFFF  }
0x1c: {  	[tilespmem:s12], [sflag:$0x1] =	stream.indirect.gather [spmem:s2], $0x80, s1, s16, $0xb8;
	[tilespmem:$0xE0C0] =	vst v63  }
0x1d: {  	_ = 	snop  }
0x1e: {  	[tilespmem:s9], [sflag:$0x2] =	stream.indirect.gather [spmem:s2], $0x80, s16, s16, $0xb8;
	[tilespmem:$0xE0C0] =	vst v63  }
0x1f: {  	_ = 	snop  }
0x20: {  	[tilespmem:s8], [sflag:$0x3] =	stream.indirect.gather [spmem:s2], $0x80, s20, s18, $0xb8;
	[tilespmem:$0xE0C0] =	vst v63  }
0x21: {  	_ =	swait.ge [sflag:s19], $0x4000  }
0x22: {  	[sflag:s19] =	ssyncset.done $0x0  }
0x23: {  	[sflag:s19] =	ssyncadd.s32 $0xFFFFC000  }
0x24: {  	[hbm4b:s6+s1] =	stream.linear.scatter [tilespmem:s12], [sflag:$0x4], $0x4000, $0x38;
	[tilespmem:$0xE0C0] =	vst v63  }
0x25: {  	_ =	swait.ge [sflag:s15], $0x4000  }
0x26: {  	[sflag:s15] =	ssyncset.done $0x0  }
0x27: {  	[sflag:s15] =	ssyncadd.s32 $0xFFFFC000  }
0x28: {  	[hbm4b:s5+s1] =	stream.linear.scatter [tilespmem:s9], [sflag:$0x5], $0x4000, $0x38;
	[tilespmem:$0xE0C0] =	vst v63  }
0x29: {  	_ =	swait.ge [sflag:s14], $0x2000  }
0x2a: {  	[sflag:s14] =	ssyncset.done $0x0  }
0x2b: {  	[sflag:s14] =	ssyncadd.s32 $0xFFFFE000  }
0x2c: {  	[hbm4b:s4+s1] =	stream.linear.scatter [tilespmem:s8], [sflag:$0x6], $0x2000, $0x38;
	[tilespmem:$0xE0C0] =	vst v63  }
0x2d: {  	_ =	swait.ge [sflag:s11], $0x4000  }
0x2e: {  	s24 =	sadd.s32 $0xFFFFFFFF, s24;
	[sflag:s11] =	ssyncset.done $0x0  }
0x2f: {  	p2 =	sne.s32 s24, $0x0;
	[sflag:s11] =	ssyncadd.s32 $0xFFFFC000  }
.Ltmp1:
0x30: {  	_ =	swait.ge [sflag:s10], $0x4000;
	(pc) =	sbr.rel @!p2 .LBB2_3-.Ltmp1, $4  }
0x31: {  	[sflag:s10] =	ssyncset.done $0x0  }
0x32: {  	[sflag:s10] =	ssyncadd.s32 $0xFFFFC000  }
0x33: {  	_ =	swait.ge [sflag:s7], $0x2000  }
0x34: {  	p1 =	por $0x1, $0x1;
	[sflag:s7] =	ssyncset.done $0x0  }
.LBB2_2:
0x35: {  	[sflag:s7] =	ssyncadd.s32 $0xFFFFE000  }
0x36: {  	[spmem:s21], [sflag:s22] =	dma.local @!p0 [hbm:s3], $0x3E80  }
0x37: {  	s24 =	sadd.s32 $0xFFFFFFFF, s24;
	_ =	swait.ge @!p0 [sflag:s23], $0x3E80  }
0x38: {  	p2 =	sne.s32 s24, $0x0;
	[sflag:s23] =	ssyncset.done @!p0 $0x0  }
0x39: {  	[sflag:s23] =	ssyncadd.s32 @!p0 $0xFFFFC180  }
0x3a: {  	[tilespmem:s1], [sflag:$0x7] =	stream.linear.gather [hbm4b:s13+s1], $0x140, $0x38;
	[tilespmem:$0xE0C0] =	vst v63  }
0x3b: {  	_ =	swait.ge [sflag:s17], $0x140  }
0x3c: {  	[sflag:s17] =	ssyncset.done $0x0  }
0x3d: {  	[sflag:s17] =	ssyncadd.s32 $0xFFFFFEC0  }
0x3e: {  	[bflag:$0x0] =	sbarrier.arrive $0xFFFF  }
0x3f: {  	[tilespmem:s12], [sflag:$0x1] =	stream.indirect.gather [spmem:s2], $0x80, s1, s16, $0xb8;
	[tilespmem:$0xE0C0] =	vst v63  }
0x40: {  	_ = 	snop  }
0x41: {  	[tilespmem:s9], [sflag:$0x2] =	stream.indirect.gather [spmem:s2], $0x80, s16, s16, $0xb8;
	[tilespmem:$0xE0C0] =	vst v63  }
0x42: {  	_ = 	snop  }
0x43: {  	[tilespmem:s8], [sflag:$0x3] =	stream.indirect.gather [spmem:s2], $0x80, s20, s18, $0xb8;
	[tilespmem:$0xE0C0] =	vst v63  }
0x44: {  	_ =	swait.ge [sflag:s19], $0x4000  }
0x45: {  	[sflag:s19] =	ssyncset.done $0x0  }
0x46: {  	[sflag:s19] =	ssyncadd.s32 $0xFFFFC000  }
0x47: {  	[hbm4b:s6+s1] =	stream.linear.scatter [tilespmem:s12], [sflag:$0x4], $0x4000, $0x38;
	[tilespmem:$0xE0C0] =	vst v63  }
0x48: {  	_ =	swait.ge [sflag:s15], $0x4000  }
0x49: {  	[sflag:s15] =	ssyncset.done $0x0  }
0x4a: {  	[sflag:s15] =	ssyncadd.s32 $0xFFFFC000  }
0x4b: {  	[hbm4b:s5+s1] =	stream.linear.scatter [tilespmem:s9], [sflag:$0x5], $0x4000, $0x38;
	[tilespmem:$0xE0C0] =	vst v63  }
0x4c: {  	_ =	swait.ge [sflag:s14], $0x2000  }
0x4d: {  	[sflag:s14] =	ssyncset.done $0x0  }
0x4e: {  	[sflag:s14] =	ssyncadd.s32 $0xFFFFE000  }
0x4f: {  	[hbm4b:s4+s1] =	stream.linear.scatter [tilespmem:s8], [sflag:$0x6], $0x2000, $0x38;
	[tilespmem:$0xE0C0] =	vst v63  }
0x50: {  	_ =	swait.ge [sflag:s11], $0x4000  }
0x51: {  	[sflag:s11] =	ssyncset.done $0x0  }
0x52: {  	[sflag:s11] =	ssyncadd.s32 $0xFFFFC000  }
.Ltmp2:
0x53: {  	_ =	swait.ge [sflag:s10], $0x4000;
	(pc) =	sbr.rel @p2 .LBB2_2-.Ltmp2, $4  }
0x54: {  	[sflag:s10] =	ssyncset.done $0x0  }
0x55: {  	[sflag:s10] =	ssyncadd.s32 $0xFFFFC000  }
0x56: {  	_ =	swait.ge [sflag:s7], $0x2000  }
0x57: {  	[sflag:s7] =	ssyncset.done $0x0  }
.LBB2_3:
0x58: {  	s22 =	simm.s32 @!p0 $0x1C07;
	s23 =	simm.s32 @!p0 $0x7;
	[sflag:s7] =	ssyncadd.s32 @p1 $0xFFFFE000  }
0x59: {  	[spmem:s21], [sflag:s22] =	dma.local @!p0 [hbm:s3], $0x3E80  }
0x5a: {  	_ =	swait.ge @!p0 [sflag:s23], $0x3E80  }
0x5b: {  	[sflag:s23] =	ssyncset.done @!p0 $0x0  }
0x5c: {  	[sflag:s23] =	ssyncadd.s32 @!p0 $0xFFFFC180  }
0x5d: {  	[tilespmem:s1], [sflag:$0x7] =	stream.linear.gather [hbm4b:s13+s1], $0x140, $0x38;
	[tilespmem:$0xE0C0] =	vst v63  }
0x5e: {  	_ =	swait.ge [sflag:s17], $0x140  }
0x5f: {  	[sflag:s17] =	ssyncset.done $0x0  }
0x60: {  	[sflag:s17] =	ssyncadd.s32 $0xFFFFFEC0  }
0x61: {  	[bflag:$0x0] =	sbarrier.arrive $0xFFFF  }
0x62: {  	[tilespmem:s12], [sflag:$0x1] =	stream.indirect.gather [spmem:s2], $0x80, s1, s16, $0xb8;
	[tilespmem:$0xE0C0] =	vst v63  }
0x63: {  	_ = 	snop  }
0x64: {  	[tilespmem:s9], [sflag:$0x2] =	stream.indirect.gather [spmem:s2], $0x80, s16, s16, $0xb8;
	[tilespmem:$0xE0C0] =	vst v63  }
0x65: {  	_ = 	snop  }
0x66: {  	[tilespmem:s8], [sflag:$0x3] =	stream.indirect.gather [spmem:s2], $0x80, s20, s18, $0xb8;
	[tilespmem:$0xE0C0] =	vst v63  }
0x67: {  	_ =	swait.ge [sflag:s19], $0x4000  }
0x68: {  	[sflag:s19] =	ssyncset.done $0x0  }
0x69: {  	[sflag:s19] =	ssyncadd.s32 $0xFFFFC000  }
0x6a: {  	[hbm4b:s6+s1] =	stream.linear.scatter [tilespmem:s12], [sflag:$0x4], $0x4000, $0x38;
	[tilespmem:$0xE0C0] =	vst v63  }
0x6b: {  	_ =	swait.ge [sflag:s15], $0x4000  }
0x6c: {  	[sflag:s15] =	ssyncset.done $0x0  }
0x6d: {  	[sflag:s15] =	ssyncadd.s32 $0xFFFFC000  }
0x6e: {  	[hbm4b:s5+s1] =	stream.linear.scatter [tilespmem:s9], [sflag:$0x5], $0x4000, $0x38;
	[tilespmem:$0xE0C0] =	vst v63  }
0x6f: {  	_ =	swait.ge [sflag:s14], $0x2000  }
0x70: {  	[sflag:s14] =	ssyncset.done $0x0  }
0x71: {  	[sflag:s14] =	ssyncadd.s32 $0xFFFFE000  }
0x72: {  	[hbm4b:s4+s1] =	stream.linear.scatter [tilespmem:s8], [sflag:$0x6], $0x2000, $0x38;
	[tilespmem:$0xE0C0] =	vst v63  }
0x73: {  	_ =	swait.ge [sflag:s11], $0x4000  }
0x74: {  	[sflag:s11] =	ssyncset.done $0x0  }
0x75: {  	[sflag:s11] =	ssyncadd.s32 $0xFFFFC000  }
0x76: {  	_ =	swait.ge [sflag:s10], $0x4000  }
0x77: {  	[sflag:s10] =	ssyncset.done $0x0  }
0x78: {  	[sflag:s10] =	ssyncadd.s32 $0xFFFFC000  }
0x79: {  	_ =	swait.ge [sflag:s7], $0x2000  }
0x7a: {  	[sflag:s7] =	ssyncset.done $0x0  }
0x7b: {  	[sflag:s7] =	ssyncadd.s32 $0xFFFFE000  }
0x7c: {  	_ =	sfence.sel $0x180000  }
0x7d: {  	[bflag:$0x0] =	sbarrier.arrive $0xFFFF  }
0x7e: {  	_ =	strace $0x90000047  }
0x7f: {  	s0 =	sadd.s32 @!p0 $0x100000, s0;
	[bflag:$0x2] =	sbarrier.arrive $0xFFFF  }
0x80: {  	[sflag:s0] =	ssyncadd.tile.s32 @!p0 $0x1;
	_ =	shalt  }
.Lfunc_end2:
_tile_overlayer_lowered:
.L_overlay_start_2:
0x81: {  	(tag) =	ssettag $0x2  }
0x82: {  	s0 =	rddreg [dreg:$0x0];
	s2 =	stileid.u32  }
0x83: {  	s1 =	rddreg [dreg:$0x1];
	p0 =	sne.s32 s2, $0x0  }
0x84: {  	s3 =	rddreg [dreg:$0x2];
	[bflag:$0x3] =	sbarrier.arrive $0xFFFF;
	s2 =	simm.s32 @!p0 $0x1C07  }
0x85: {  	[timem:s3], [sflag:s2] =	dma.local @!p0 [hbm:s0], s1  }
0x86: {  	s0 =	simm.s32 @!p0 $0x7  }
0x87: {  	_ =	swait.ge @!p0 [sflag:s0], s1  }
0x88: {  	s1 =	ssub.s32 @!p0 $0x0, s1;
	[sflag:s0] =	ssyncset.done @!p0 $0x0  }
0x89: {  	[sflag:s0] =	ssyncadd.s32 @!p0 s1  }
0x8a: {  	[bflag:$0x3] =	sbarrier.arrive $0xFFFF  }
0x8b: {  	_ =	shalt  }

// kernel: kernel.9.cloned.1.call-start
scs
__scs_entry_jumppad:
0x0: {  	(pc) =	sbr.rel $0x88, $3  }
0x1: {  	(tag) =	ssettag $0x0;
	lr =	simm.s32 $0x1  }
0x2: {  	[smem:$0x3F9D] =	sst lr;
	_ =	strace $0xD0000000  }
0x3: {  	_ = 	snop  }
0x4: {  	_ = 	snop  }
0x5: {  	_ = 	snop  }
0x6: {  	_ = 	snop  }
0x7: {  	_ = 	snop  }
__scs_overlays_trampoline_lowered:
0x8: {  	[smem:$0x3FAC] =	sst s0  }
0x9: {  	[smem:$0x3FAD] =	sst s1  }
0xa: {  	[smem:$0x3FAE] =	sst s2  }
0xb: {  	[smem:$0x3FAF] =	sst s3  }
0xc: {  	[smem:$0x3FB0] =	sst s4  }
0xd: {  	[smem:$0x3FB1] =	sst s5  }
0xe: {  	[smem:$0x3FB2] =	sst s6  }
0xf: {  	[smem:$0x3FB3] =	sst s7  }
0x10: {  	[smem:$0x3FB4] =	sst s8  }
0x11: {  	[smem:$0x3FB5] =	sst s9;
	s0 =	simm.s32 @!p0 $0x0  }
0x12: {  	s1 =	sld [smem:$0x3F9B];
	s0 =	simm.s32 @p0 $0x1  }
0x13: {  	[smem:$0x3FB6] =	sst s0;
	s0 =	simm.s32 @!p1 $0x0  }
0x14: {  	s2 =	sld [smem:$0x3F9A];
	s0 =	simm.s32 @p1 $0x1  }
0x15: {  	[smem:$0x3FB7] =	sst s0;
	s0 =	simm.s32 @!p2 $0x0  }
0x16: {  	s3 =	sld [smem:$0x3FDB];
	s0 =	simm.s32 @p2 $0x1  }
0x17: {  	s4 =	simm.s32 $0x1BF5;
	[smem:$0x3FB9] =	sst s0  }
0x18: {  	s0 =	sld [smem:$0x3F9C];
	_ =	swait.ge [sflag:s4], $0x0  }
0x19: {  	s7 =	sld [smem:$0x3F9D]  }
0x1a: {  	s8 =	sadd.s32 $0xFFFFE003, lr  }
0x1b: {  	s9 =	sadd.s32 $0xFFFFFEF7, lr;
	s5 =	simm.s32 $0xFFFFFFFF;
	p2 =	slt.u32 s8, $0xFFFFF086  }
0x1c: {  	p1 =	slt.u32 s9, $0xF7A;
	s5 =	simm.s32 @!p2 $0x0  }
0x1d: {  	s5 =	simm.s32 @p1 $0x1;
	p0 =	seq.s32 s7, s2  }
0x1e: {  	s7 =	smul.u32 @!p0 $0xF7A, s2;
	p2 =	seq.s32 @!p0 s5, $0x0  }
0x1f: {  	s9 =	smul.u32 $0xF7A, s1;
	s8 =	simm.s32 @!p0 $0x1BF5;
	p2 =	por !p2, p0  }
0x20: {  	[sflag:s8] =	ssyncset.s32 @!p0 $0xFFFFF086;
	s6 =	sadd.s32 @!p0 s3, s7;
	s7 =	simm.s32 @!p0 $0x108  }
0x21: {  	s3 =	sadd.s32 s3, s9;
	s6 =	sadd.s32 @!p0 $0x88, s6;
	s7 =	simm.s32 @p2 $0x1082  }
0x22: {  	[simem:s7], [sflag:s8] =	dma.local @!p0 [hbm:s6], $0xF7A  }
0x23: {  	s9 =	sor.u32 $0xD0000000, s2;
	s6 =	simm.s32 $0x108;
	_ =	swait.ge @!p0 [sflag:s8], $0x0  }
0x24: {  	s3 =	sadd.s32 $0x88, s3;
	s6 =	simm.s32 @!p1 $0x1082;
	[sflag:s4] =	ssyncset.s32 $0xFFFFF086  }
0x25: {  	[simem:s6], [sflag:s4] =	dma.local [hbm:s3], $0xF7A  }
0x26: {  	[smem:$0x3F9D] =	sst s1;
	(tag) =	ssettag s2;
	_ =	strace s9  }
0x27: {  	s1 =	sld [smem:$0x3FAD]  }
0x28: {  	s2 =	sld [smem:$0x3FAE]  }
0x29: {  	s4 =	sld [smem:$0x3FB0]  }
0x2a: {  	p0 =	seq.s32 s5, $0x0;
	s5 =	sld [smem:$0x3FB1]  }
0x2b: {  	s6 =	sld [smem:$0x3FB2]  }
0x2c: {  	s7 =	sld [smem:$0x3FB3]  }
0x2d: {  	s3 =	simm.s32 $0x108;
	s8 =	sld [smem:$0x3FB4]  }
0x2e: {  	s3 =	simm.s32 @!p0 $0x1082;
	s9 =	sld [smem:$0x3FB5]  }
0x2f: {  	lr =	sadd.s32 s0, s3;
	s0 =	sld [smem:$0x3FAC]  }
0x30: {  	s3 =	sld [smem:$0x3FAF]  }
0x31: {  	[smem:$0x3FB8] =	sst s10  }
0x32: {  	s10 =	sld [smem:$0x3FB6];
	_ =	sdelay $0x3  }
0x33: {  	p0 =	seq.s32 s10, $0x1;
	s10 =	sld [smem:$0x3FB8];
	_ =	sdelay $0x3  }
0x34: {  	[smem:$0x3FB8] =	sst s10  }
0x35: {  	s10 =	sld [smem:$0x3FB7];
	_ =	sdelay $0x3  }
0x36: {  	p1 =	seq.s32 s10, $0x1;
	s10 =	sld [smem:$0x3FB8];
	_ =	sdelay $0x3  }
0x37: {  	[smem:$0x3FB8] =	sst s10  }
0x38: {  	s10 =	sld [smem:$0x3FB9]  }
0x39: {  	_ = 	snop;
	(pc) =	sbr.ind lr, $3  }
0x3a: {  	_ = 	snop  }
0x3b: {  	_ = 	snop  }
0x3c: {  	p2 =	seq.s32 s10, $0x1;
	s10 =	sld [smem:$0x3FB8]  }
0x3d: {  	_ =	shalt  }
0x3e: {  	_ =	shalt  }
0x3f: {  	_ =	shalt  }
0x40: {  	_ =	shalt  }
0x41: {  	_ =	shalt  }
0x42: {  	_ =	shalt  }
0x43: {  	_ =	shalt  }
0x44: {  	_ =	shalt  }
0x45: {  	_ =	shalt  }
0x46: {  	_ =	shalt  }
0x47: {  	_ =	shalt  }
0x48: {  	_ =	shalt  }
0x49: {  	_ =	shalt  }
0x4a: {  	_ =	shalt  }
0x4b: {  	_ =	shalt  }
0x4c: {  	_ =	shalt  }
0x4d: {  	_ =	shalt  }
0x4e: {  	_ =	shalt  }
0x4f: {  	_ =	shalt  }
0x50: {  	_ =	shalt  }
0x51: {  	_ =	shalt  }
0x52: {  	_ =	shalt  }
0x53: {  	_ =	shalt  }
0x54: {  	_ =	shalt  }
0x55: {  	_ =	shalt  }
0x56: {  	_ =	shalt  }
0x57: {  	_ =	shalt  }
0x58: {  	_ =	shalt  }
0x59: {  	_ =	shalt  }
0x5a: {  	_ =	shalt  }
0x5b: {  	_ =	shalt  }
0x5c: {  	_ =	shalt  }
0x5d: {  	_ =	shalt  }
0x5e: {  	_ =	shalt  }
0x5f: {  	_ =	shalt  }
0x60: {  	_ =	shalt  }
0x61: {  	_ =	shalt  }
0x62: {  	_ =	shalt  }
0x63: {  	_ =	shalt  }
0x64: {  	_ =	shalt  }
0x65: {  	_ =	shalt  }
0x66: {  	_ =	shalt  }
0x67: {  	_ =	shalt  }
0x68: {  	_ =	shalt  }
0x69: {  	_ =	shalt  }
0x6a: {  	_ =	shalt  }
0x6b: {  	_ =	shalt  }
0x6c: {  	_ =	shalt  }
0x6d: {  	_ =	shalt  }
0x6e: {  	_ =	shalt  }
0x6f: {  	_ =	shalt  }
0x70: {  	_ =	shalt  }
0x71: {  	_ =	shalt  }
0x72: {  	_ =	shalt  }
0x73: {  	_ =	shalt  }
0x74: {  	_ =	shalt  }
0x75: {  	_ =	shalt  }
0x76: {  	_ =	shalt  }
0x77: {  	_ =	shalt  }
0x78: {  	_ =	shalt  }
0x79: {  	_ =	shalt  }
0x7a: {  	_ =	shalt  }
0x7b: {  	_ =	shalt  }
0x7c: {  	_ =	shalt  }
0x7d: {  	_ =	shalt  }
0x7e: {  	_ =	shalt  }
0x7f: {  	_ =	shalt  }
0x80: {  	_ =	shalt  }
0x81: {  	_ =	shalt  }
0x82: {  	_ =	shalt  }
0x83: {  	_ =	shalt  }
0x84: {  	_ =	shalt  }
0x85: {  	_ =	shalt  }
0x86: {  	_ =	shalt  }
0x87: {  	_ =	shalt  }
.Lfunc_end0:
.L_simem_size_0:
called_computation.1_lowered:
.L_overlay_start_0:
0x88: {  	s2 =	sld [smem:$0x3FD9]  }
0x89: {  	s3 =	sld [smem:$0x3FFE];
	_ =	sdelay $0x1  }
0x8a: {  	s1 =	srdreg.scid  }
0x8b: {  	s0 =	sand.u32 $0x1, s1  }
0x8c: {  	s17 =	sshll.u32 s0, $0xA;
	s2 =	sadd.s32 s3, s2  }
0x8d: {  	s2 =	sadd.s32 s2, s17  }
0x8e: {  	[smem:$0x3FC4] =	sst s2  }
0x8f: {  	_ = 	snop  }
0x90: {  	s18 =	sld [smem:$0x3FC8];
	(tm) =	ssettm $0x1  }
0x91: {  	s19 =	sld [smem:$0x3FFB];
	_ =	sdelay $0x3  }
0x92: {  	_ =	strace s19  }
0x93: {  	s2 =	sld [smem:$0x3FFC];
	_ =	sdelay $0x3  }
0x94: {  	_ =	strace s2  }
0x95: {  	s2 =	sld [smem:$0x3FFD];
	_ =	sdelay $0x3  }
0x96: {  	_ =	strace s2  }
0x97: {  	_ =	strace $0x8FFFFFFF  }
0x98: {  	s20 =	sld [smem:$0x3FDB];
	_ =	sdelay $0x1  }
0x99: {  	s4 =	simm.s32 $_scs_section_size  }
0x9a: {  	s5 =	simm.s32 $_size__tile_overlayer_lowered;
	s6 =	simm.s32 $_tile_overlayer_lowered  }
0x9b: {  	s7 =	simm.s32 $0x1BFF;
	s21 =	sshll.u32 s6, $0x1;
	s4 =	sadd.s32 s4, s20  }
0x9c: {  	s22 =	simm.s32 $0x0;
	s5 =	sshll.u32 s5, $0x1;
	s6 =	sadd.s32 s21, s4  }
0x9d: {  	[timem:s22], [sflag:s7] =	dma.local [hbm:s6], s5  }
0x9e: {  	_ =	swait.ge [sflag:s7], s5  }
0x9f: {  	s5 =	ssub.s32 $0x0, s5;
	[sflag:s7] =	ssyncset.done $0x0  }
0xa0: {  	[sflag:s7] =	ssyncadd.s32 s5;
	_ =	sdelay $0x1  }
0xa1: {  	s23 =	simm.s32 $0x1B8B  }
0xa2: {  	_ =	swait.ge [sflag:s23], $0x1  }
0xa3: {  	[sflag:s23] =	ssyncset.done $0x0  }
0xa4: {  	[sflag:s23] =	ssyncadd.s32 $0xFFFFFFFF  }
0xa5: {  	s5 =	sld [smem:$0x0]  }
0xa6: {  	s6 =	sand.u32 $0xFFFFFFFE, s1  }
0xa7: {  	p0 =	sne.s32 s1, s6  }
0xa8: {  	s6 =	sshll.u32 @p0 s6, $0xE  }
0xa9: {  	s6 =	sadd.s32 @p0 $0x11B8D, s6;
	s7 =	sshll.u32 @p0 s5, $0x11  }
0xaa: {  	s6 =	sor.u32 @p0 s7, s6  }
0xab: {  	[sflag:s6] =	ssyncadd.remote.s32 @p0 $0x1;
	_ =	sdelay $0x1  }
0xac: {  	s6 =	simm.s32 @p0 $0x1B8D  }
0xad: {  	_ =	swait.eq @p0 [sflag:s6], $0x1  }
0xae: {  	[sflag:s6] =	ssyncadd.s32 @p0 $0xFFFFFFFF  }
0xaf: {  	s7 =	sshll.u32 @!p0 s1, $0xE  }
0xb0: {  	s7 =	sor.u32 @!p0 $0x4000, s7;
	s6 =	simm.s32 @!p0 $0x1B8D  }
0xb1: {  	s5 =	sshll.u32 @!p0 s5, $0x11;
	s7 =	sadd.s32 @!p0 $0x11B8D, s7;
	_ =	swait.eq @!p0 [sflag:s6], $0x1  }
0xb2: {  	s5 =	sor.u32 @!p0 s5, s7;
	[sflag:s6] =	ssyncadd.s32 @!p0 $0xFFFFFFFF  }
0xb3: {  	s25 =	simm.s32 $0x1B8E;
	s24 =	sld [smem:$0x3FFE];
	[sflag:s5] =	ssyncadd.remote.s32 @!p0 $0x1  }
0xb4: {  	s26 =	simm.s32 $execute0_lowered;
	[smem:$0x3FD2] =	sst s25  }
0xb5: {  	s6 =	sshll.u32 s26, $0x1;
	_ =	strace $0x80000049;
	[dreg:$0x1] =	wrdreg $0xFFFFFFFF  }
0xb6: {  	s28 =	simm.s32 $_size_execute0_lowered;
	s4 =	sadd.s32 s4, s6;
	[dreg:$0x0] =	wrdreg $0x0  }
0xb7: {  	s6 =	sshll.u32 s28, $0x1;
	[dreg:$0x2] =	wrdreg s4  }
0xb8: {  	[dreg:$0x3] =	wrdreg s6  }
0xb9: {  	[dreg:$0x4] =	wrdreg $0xC0  }
0xba: {  	_ =	task [dreg:s22], $0x5FFFF  }
0xbb: {  	[dreg:$0x1] =	wrdreg $0xFFFFFFFF  }
0xbc: {  	[dreg:$0x0] =	wrdreg $0x60  }
0xbd: {  	[dreg:$0x2] =	wrdreg s24  }
0xbe: {  	[dreg:$0x3] =	wrdreg s18  }
0xbf: {  	[dreg:$0x4] =	wrdreg $0x5000  }
0xc0: {  	[dreg:$0x5] =	wrdreg $0xA  }
0xc1: {  	_ =	task.clear_ibuf [dreg:s22], $0x6FFFF;
	_ =	strace $0x90000049  }
0xc2: {  	s29 =	simm.s32 $0xA;
	_ =	strace $0x8000004B  }
0xc3: {  	_ =	swait.ge [sflag:s29], $0x1  }
0xc4: {  	[sflag:s29] =	ssyncadd.s32 $0xFFFFFFFF  }
0xc5: {  	_ =	strace $0x9000004B  }
0xc6: {  	_ =	sfence  }
0xc7: {  	s30 =	sld [smem:$0x0];
	_ =	sdelay $0x2  }
0xc8: {  	s31 =	sshll.u32 s1, $0xD;
	s1 =	sshrl.u32 s1, $0x2  }
0xc9: {  	s4 =	sand.u32 $0x4000, s31;
	s1 =	sadd.s32 s1, s30  }
0xca: {  	s0 =	sor.u32 s4, s0;
	s1 =	sshll.u32 s1, $0x11  }
0xcb: {  	s0 =	sor.u32 s1, s0  }
0xcc: {  	s0 =	sadd.s32 $0x8F2B, s0  }
0xcd: {  	[sflag:s0] =	ssyncadd.remote.s32 $0x1  }
0xce: {  	_ =	sfence.sel $0xFFFF  }
0xcf: {  	[dreg:$0x0] =	wrdreg $0xFFFFFFFF;
	(pc) =	sbr.abs _section_cstart, $3  }
0xd0: {  	[dreg:$0x1] =	wrdreg $0xFFFFFFFF  }
0xd1: {  	_ =	task.clear_ibuf [dreg:s22], $0x2FFFF;
	_ =	strace $0x9FFFFFFF  }
0xd2: {  	(tm) =	ssettm $0x7FFFFFFF  }
0xd3: {  	_ =	shalt  }
tec
execute0_lowered:
.L_overlay_start_1:
0x0: {  	(tag) =	ssettag $0x1  }
0x1: {  	s0 =	rddreg [dreg:$0x0];
	s1 =	srdreg.scid  }
0x2: {  	s4 =	stileid.u32;
	s2 =	rddreg [dreg:$0x1]  }
0x3: {  	s30 =	rddreg [dreg:$0x3];
	s3 =	sand.u32 $0x1, s1;
	s18 =	sshll.u32 s4, $0x1  }
0x4: {  	s12 =	simm.s32 $0x80;
	s14 =	simm.s32 $0xA440;
	s5 =	sor.u32 s3, s18  }
0x5: {  	s9 =	simm.s32 $0x1;
	s13 =	simm.s32 $0xE440;
	s6 =	smul.u32 $0xA0, s5  }
0x6: {  	[dreg:$0x4] =	wrdreg s2;
	s1 =	simm.s32 $0x0;
	s7 =	smul.u32 $0x5000, s5  }
0x7: {  	[smem:$0x7FF] =	sst s1;
	s3 =	ssub.s32 $0x2, s3;
	s5 =	smul.u32 $0x28000, s5  }
0x8: {  	s2 =	rddreg [dreg:$0x2];
	_ =	strace $0x8000004A;
	s25 =	sshrl.u32 s3, $0x1  }
0x9: {  	s6 =	sadd.s32 s6, s0;
	s0 =	sadd.s32 $0x2A00, s0;
	s5 =	sshrl.u32 s5, $0x3  }
0xa: {  	s6 =	sadd.s32 $0x1600, s6;
	s18 =	sadd.s32 s0, s7;
	s0 =	sadd.s32 s0, s5  }
0xb: {  	[dreg:$0x5] =	wrdreg s6;
	s19 =	sadd.s32 $0x800, s18;
	s5 =	sadd.s32 $0x1000, s0  }
0xc: {  	s20 =	sadd.s32 $0x1800, s0;
	s21 =	sadd.s32 $0x2000, s0;
	s22 =	sadd.s32 $0x2800, s0  }
0xd: {  	s23 =	sadd.s32 $0x3000, s0;
	s24 =	sadd.s32 $0x3800, s0;
	s26 =	sadd.s32 $0x4000, s0  }
0xe: {  	s6 =	ssub.s32 s3, s25;
	s3 =	sadd.s32 $0x4800, s0;
	s0 =	rddreg [dreg:$0x4]  }
0xf: {  	s8 =	simm.s32 $0x2;
	s16 =	simm.s32 $0x3;
	[dreg:$0x6] =	wrdreg s19  }
0x10: {  	s15 =	simm.s32 $0x4;
	s11 =	simm.s32 $0x7;
	[dreg:$0x7] =	wrdreg s5  }
0x11: {  	s10 =	simm.s32 $0x8;
	p1 =	por $0x0, $0x0;
	[dreg:$0x8] =	wrdreg s20  }
0x12: {  	s17 =	simm.s32 $0x480;
	[dreg:$0x9] =	wrdreg s21;
	s29 =	smax.u32 s6, $0x1  }
0x13: {  	p0 =	sne.s32 s4, $0x0;
	[dreg:$0xa] =	wrdreg s22;
	s31 =	sadd.s32 $0xFFFFFFFF, s29  }
0x14: {  	s4 =	simm.s32 $0x5;
	[dreg:$0xb] =	wrdreg s23;
	p2 =	sne.s32 s31, $0x0  }
.Ltmp0:
0x15: {  	s28 =	sshrl.u32 @!p0 s2, $0x3;
	[dreg:$0xc] =	wrdreg s24;
	(pc) =	sbr.rel @!p2 .LBB2_5-.Ltmp0, $4  }
0x16: {  	s7 =	simm.s32 $0x2440;
	s25 =	simm.s32 $0x9;
	[dreg:$0xd] =	wrdreg s26  }
0x17: {  	s6 =	simm.s32 $0x6440;
	s26 =	simm.s32 $0x100;
	s24 =	simm.s32 $0x180  }
0x18: {  	s23 =	simm.s32 $0x200;
	s5 =	simm.s32 $0x6;
	s22 =	simm.s32 $0x280  }
0x19: {  	s21 =	simm.s32 $0x300;
	s20 =	simm.s32 $0x380;
	s19 =	simm.s32 $0x400  }
0x1a: {  	s29 =	simm.s32 @!p0 $0x1C09;
	s30 =	simm.s32 @!p0 $0x9  }
0x1b: {  	[spmem:s28], [sflag:s29] =	dma.local @!p0 [hbm:s0], $0x3E80  }
0x1c: {  	_ =	swait.ge @!p0 [sflag:s30], $0x3E80  }
0x1d: {  	[sflag:s30] =	ssyncset.done @!p0 $0x0  }
0x1e: {  	s0 =	rddreg [dreg:$0x5];
	[sflag:s30] =	ssyncadd.s32 @!p0 $0xFFFFC180  }
0x1f: {  	[tilespmem:s1], [sflag:$0x9] =	stream.linear.gather [hbm4b:s0+s1], $0x500, $0x38;
	[tilespmem:$0x12440] =	vst v63  }
0x20: {  	_ =	swait.ge [sflag:s25], $0x500  }
0x21: {  	[sflag:s25] =	ssyncset.done $0x0  }
0x22: {  	[sflag:s25] =	ssyncadd.s32 $0xFFFFFB00  }
0x23: {  	[bflag:$0x0] =	sbarrier.arrive $0xFFFF  }
0x24: {  	[tilespmem:s7], [sflag:$0x1] =	stream.indirect.gather [spmem:s2], $0x80, s1, s12, $0xb8;
	[tilespmem:$0x12440] =	vst v63  }
0x25: {  	_ = 	snop  }
0x26: {  	[tilespmem:s6], [sflag:$0x2] =	stream.indirect.gather [spmem:s2], $0x80, s12, s12, $0xb8;
	[tilespmem:$0x12440] =	vst v63  }
0x27: {  	_ = 	snop  }
0x28: {  	[tilespmem:s14], [sflag:$0x3] =	stream.indirect.gather [spmem:s2], $0x80, s26, s12, $0xb8;
	[tilespmem:$0x12440] =	vst v63  }
0x29: {  	_ =	swait.ge [sflag:s9], $0x4000  }
0x2a: {  	[sflag:s9] =	ssyncset.done $0x0  }
0x2b: {  	[sflag:s9] =	ssyncadd.s32 $0xFFFFC000  }
0x2c: {  	[hbm4b:s18+s1] =	stream.linear.scatter [tilespmem:s7], [sflag:$0x5], $0x4000, $0x38;
	[tilespmem:$0x12440] =	vst v63  }
0x2d: {  	_ = 	snop  }
0x2e: {  	[tilespmem:s13], [sflag:$0x4] =	stream.indirect.gather [spmem:s2], $0x80, s24, s12, $0xb8;
	[tilespmem:$0x12440] =	vst v63  }
0x2f: {  	_ =	swait.ge [sflag:s8], $0x4000  }
0x30: {  	[sflag:s8] =	ssyncset.done $0x0  }
0x31: {  	s0 =	rddreg [dreg:$0x6];
	[sflag:s8] =	ssyncadd.s32 $0xFFFFC000  }
0x32: {  	[hbm4b:s0+s1] =	stream.linear.scatter [tilespmem:s6], [sflag:$0x6], $0x4000, $0x38;
	[tilespmem:$0x12440] =	vst v63  }
0x33: {  	_ =	swait.ge [sflag:s4], $0x4000  }
0x34: {  	[sflag:s4] =	ssyncset.done $0x0  }
0x35: {  	[sflag:s4] =	ssyncadd.s32 $0xFFFFC000  }
0x36: {  	[tilespmem:s7], [sflag:$0x1] =	stream.indirect.gather [spmem:s2], $0x80, s23, s12, $0xb8;
	[tilespmem:$0x12440] =	vst v63  }
0x37: {  	_ =	swait.ge [sflag:s16], $0x4000  }
0x38: {  	[sflag:s16] =	ssyncset.done $0x0  }
0x39: {  	s0 =	rddreg [dreg:$0x7];
	[sflag:s16] =	ssyncadd.s32 $0xFFFFC000  }
0x3a: {  	[hbm4b:s0+s1] =	stream.linear.scatter [tilespmem:s14], [sflag:$0x7], $0x4000, $0x38;
	[tilespmem:$0x12440] =	vst v63  }
0x3b: {  	_ =	swait.ge [sflag:s5], $0x4000  }
0x3c: {  	[sflag:s5] =	ssyncset.done $0x0  }
0x3d: {  	[sflag:s5] =	ssyncadd.s32 $0xFFFFC000  }
0x3e: {  	[tilespmem:s6], [sflag:$0x2] =	stream.indirect.gather [spmem:s2], $0x80, s22, s12, $0xb8;
	[tilespmem:$0x12440] =	vst v63  }
0x3f: {  	_ =	swait.ge [sflag:s15], $0x4000  }
0x40: {  	[sflag:s15] =	ssyncset.done $0x0  }
0x41: {  	s0 =	rddreg [dreg:$0x8];
	[sflag:s15] =	ssyncadd.s32 $0xFFFFC000  }
0x42: {  	[hbm4b:s0+s1] =	stream.linear.scatter [tilespmem:s13], [sflag:$0x8], $0x4000, $0x38;
	[tilespmem:$0x12440] =	vst v63  }
0x43: {  	_ =	swait.ge [sflag:s11], $0x4000  }
0x44: {  	[sflag:s11] =	ssyncset.done $0x0  }
0x45: {  	[sflag:s11] =	ssyncadd.s32 $0xFFFFC000  }
0x46: {  	[tilespmem:s14], [sflag:$0x3] =	stream.indirect.gather [spmem:s2], $0x80, s21, s12, $0xb8;
	[tilespmem:$0x12440] =	vst v63  }
0x47: {  	_ =	swait.ge [sflag:s9], $0x4000  }
0x48: {  	[sflag:s9] =	ssyncset.done $0x0  }
0x49: {  	s0 =	rddreg [dreg:$0x9];
	[sflag:s9] =	ssyncadd.s32 $0xFFFFC000  }
0x4a: {  	[hbm4b:s0+s1] =	stream.linear.scatter [tilespmem:s7], [sflag:$0x5], $0x4000, $0x38;
	[tilespmem:$0x12440] =	vst v63  }
0x4b: {  	_ =	swait.ge [sflag:s10], $0x4000  }
0x4c: {  	[sflag:s10] =	ssyncset.done $0x0  }
0x4d: {  	[sflag:s10] =	ssyncadd.s32 $0xFFFFC000  }
0x4e: {  	[tilespmem:s13], [sflag:$0x4] =	stream.indirect.gather [spmem:s2], $0x80, s20, s12, $0xb8;
	[tilespmem:$0x12440] =	vst v63  }
0x4f: {  	_ =	swait.ge [sflag:s8], $0x4000  }
0x50: {  	[sflag:s8] =	ssyncset.done $0x0  }
0x51: {  	s0 =	rddreg [dreg:$0xa];
	[sflag:s8] =	ssyncadd.s32 $0xFFFFC000  }
0x52: {  	[hbm4b:s0+s1] =	stream.linear.scatter [tilespmem:s6], [sflag:$0x6], $0x4000, $0x38;
	[tilespmem:$0x12440] =	vst v63  }
0x53: {  	_ =	swait.ge [sflag:s4], $0x4000  }
0x54: {  	[sflag:s4] =	ssyncset.done $0x0  }
0x55: {  	[sflag:s4] =	ssyncadd.s32 $0xFFFFC000  }
0x56: {  	[tilespmem:s7], [sflag:$0x1] =	stream.indirect.gather [spmem:s2], $0x80, s19, s12, $0xb8;
	[tilespmem:$0x12440] =	vst v63  }
0x57: {  	_ =	swait.ge [sflag:s16], $0x4000  }
0x58: {  	[sflag:s16] =	ssyncset.done $0x0  }
0x59: {  	s0 =	rddreg [dreg:$0xb];
	[sflag:s16] =	ssyncadd.s32 $0xFFFFC000  }
0x5a: {  	[hbm4b:s0+s1] =	stream.linear.scatter [tilespmem:s14], [sflag:$0x7], $0x4000, $0x38;
	[tilespmem:$0x12440] =	vst v63  }
0x5b: {  	_ =	swait.ge [sflag:s5], $0x4000  }
0x5c: {  	[sflag:s5] =	ssyncset.done $0x0  }
0x5d: {  	[sflag:s5] =	ssyncadd.s32 $0xFFFFC000  }
0x5e: {  	[tilespmem:s6], [sflag:$0x2] =	stream.indirect.gather [spmem:s2], $0x80, s17, s12, $0xb8;
	[tilespmem:$0x12440] =	vst v63  }
0x5f: {  	_ =	swait.ge [sflag:s15], $0x4000  }
0x60: {  	[sflag:s15] =	ssyncset.done $0x0  }
0x61: {  	s0 =	rddreg [dreg:$0xc];
	[sflag:s15] =	ssyncadd.s32 $0xFFFFC000  }
0x62: {  	[hbm4b:s0+s1] =	stream.linear.scatter [tilespmem:s13], [sflag:$0x8], $0x4000, $0x38;
	[tilespmem:$0x12440] =	vst v63  }
0x63: {  	_ =	swait.ge [sflag:s9], $0x4000  }
0x64: {  	[sflag:s9] =	ssyncset.done $0x0  }
0x65: {  	s0 =	rddreg [dreg:$0xd];
	[sflag:s9] =	ssyncadd.s32 $0xFFFFC000  }
0x66: {  	[hbm4b:s0+s1] =	stream.linear.scatter [tilespmem:s7], [sflag:$0x5], $0x4000, $0x38;
	[tilespmem:$0x12440] =	vst v63  }
0x67: {  	_ =	swait.ge [sflag:s8], $0x4000  }
0x68: {  	[sflag:s8] =	ssyncset.done $0x0  }
0x69: {  	[sflag:s8] =	ssyncadd.s32 $0xFFFFC000  }
0x6a: {  	[hbm4b:s3+s1] =	stream.linear.scatter [tilespmem:s6], [sflag:$0x6], $0x4000, $0x38;
	[tilespmem:$0x12440] =	vst v63  }
0x6b: {  	_ =	swait.ge [sflag:s11], $0x4000  }
0x6c: {  	[sflag:s11] =	ssyncset.done $0x0  }
0x6d: {  	[sflag:s11] =	ssyncadd.s32 $0xFFFFC000  }
0x6e: {  	_ =	swait.ge [sflag:s10], $0x4000  }
0x6f: {  	s31 =	sadd.s32 $0xFFFFFFFF, s31;
	[sflag:s10] =	ssyncset.done $0x0  }
0x70: {  	p2 =	sne.s32 s31, $0x0;
	[sflag:s10] =	ssyncadd.s32 $0xFFFFC000  }
.Ltmp1:
0x71: {  	_ =	swait.ge [sflag:s4], $0x4000;
	(pc) =	sbr.rel @!p2 .LBB2_2-.Ltmp1, $4  }
0x72: {  	[sflag:s4] =	ssyncset.done $0x0  }
0x73: {  	[sflag:s4] =	ssyncadd.s32 $0xFFFFC000  }
0x74: {  	_ =	swait.ge [sflag:s5], $0x4000  }
0x75: {  	p1 =	por $0x1, $0x1;
	s0 =	rddreg [dreg:$0x4];
	[sflag:s5] =	ssyncset.done $0x0  }
.LBB2_3:
0x76: {  	[sflag:s5] =	ssyncadd.s32 $0xFFFFC000  }
0x77: {  	[spmem:s28], [sflag:s29] =	dma.local @!p0 [hbm:s0], $0x3E80  }
0x78: {  	_ =	swait.ge @!p0 [sflag:s30], $0x3E80  }
0x79: {  	[sflag:s30] =	ssyncset.done @!p0 $0x0  }
0x7a: {  	s0 =	rddreg [dreg:$0x5];
	[sflag:s30] =	ssyncadd.s32 @!p0 $0xFFFFC180  }
0x7b: {  	[tilespmem:s1], [sflag:$0x9] =	stream.linear.gather [hbm4b:s0+s1], $0x500, $0x38;
	[tilespmem:$0x12440] =	vst v63  }
0x7c: {  	_ =	swait.ge [sflag:s25], $0x500  }
0x7d: {  	[sflag:s25] =	ssyncset.done $0x0  }
0x7e: {  	[sflag:s25] =	ssyncadd.s32 $0xFFFFFB00  }
0x7f: {  	[bflag:$0x0] =	sbarrier.arrive $0xFFFF  }
0x80: {  	[tilespmem:s7], [sflag:$0x1] =	stream.indirect.gather [spmem:s2], $0x80, s1, s12, $0xb8;
	[tilespmem:$0x12440] =	vst v63  }
0x81: {  	_ = 	snop  }
0x82: {  	[tilespmem:s6], [sflag:$0x2] =	stream.indirect.gather [spmem:s2], $0x80, s12, s12, $0xb8;
	[tilespmem:$0x12440] =	vst v63  }
0x83: {  	_ = 	snop  }
0x84: {  	[tilespmem:s14], [sflag:$0x3] =	stream.indirect.gather [spmem:s2], $0x80, s26, s12, $0xb8;
	[tilespmem:$0x12440] =	vst v63  }
0x85: {  	_ =	swait.ge [sflag:s9], $0x4000  }
0x86: {  	[sflag:s9] =	ssyncset.done $0x0  }
0x87: {  	[sflag:s9] =	ssyncadd.s32 $0xFFFFC000  }
0x88: {  	[hbm4b:s18+s1] =	stream.linear.scatter [tilespmem:s7], [sflag:$0x5], $0x4000, $0x38;
	[tilespmem:$0x12440] =	vst v63  }
0x89: {  	_ = 	snop  }
0x8a: {  	[tilespmem:s13], [sflag:$0x4] =	stream.indirect.gather [spmem:s2], $0x80, s24, s12, $0xb8;
	[tilespmem:$0x12440] =	vst v63  }
0x8b: {  	_ =	swait.ge [sflag:s8], $0x4000  }
0x8c: {  	[sflag:s8] =	ssyncset.done $0x0  }
0x8d: {  	s0 =	rddreg [dreg:$0x6];
	[sflag:s8] =	ssyncadd.s32 $0xFFFFC000  }
0x8e: {  	[hbm4b:s0+s1] =	stream.linear.scatter [tilespmem:s6], [sflag:$0x6], $0x4000, $0x38;
	[tilespmem:$0x12440] =	vst v63  }
0x8f: {  	_ =	swait.ge [sflag:s4], $0x4000  }
0x90: {  	[sflag:s4] =	ssyncset.done $0x0  }
0x91: {  	[sflag:s4] =	ssyncadd.s32 $0xFFFFC000  }
0x92: {  	[tilespmem:s7], [sflag:$0x1] =	stream.indirect.gather [spmem:s2], $0x80, s23, s12, $0xb8;
	[tilespmem:$0x12440] =	vst v63  }
0x93: {  	_ =	swait.ge [sflag:s16], $0x4000  }
0x94: {  	[sflag:s16] =	ssyncset.done $0x0  }
0x95: {  	s0 =	rddreg [dreg:$0x7];
	[sflag:s16] =	ssyncadd.s32 $0xFFFFC000  }
0x96: {  	[hbm4b:s0+s1] =	stream.linear.scatter [tilespmem:s14], [sflag:$0x7], $0x4000, $0x38;
	[tilespmem:$0x12440] =	vst v63  }
0x97: {  	_ =	swait.ge [sflag:s5], $0x4000  }
0x98: {  	[sflag:s5] =	ssyncset.done $0x0  }
0x99: {  	[sflag:s5] =	ssyncadd.s32 $0xFFFFC000  }
0x9a: {  	[tilespmem:s6], [sflag:$0x2] =	stream.indirect.gather [spmem:s2], $0x80, s22, s12, $0xb8;
	[tilespmem:$0x12440] =	vst v63  }
0x9b: {  	_ =	swait.ge [sflag:s15], $0x4000  }
0x9c: {  	[sflag:s15] =	ssyncset.done $0x0  }
0x9d: {  	s0 =	rddreg [dreg:$0x8];
	[sflag:s15] =	ssyncadd.s32 $0xFFFFC000  }
0x9e: {  	[hbm4b:s0+s1] =	stream.linear.scatter [tilespmem:s13], [sflag:$0x8], $0x4000, $0x38;
	[tilespmem:$0x12440] =	vst v63  }
0x9f: {  	_ =	swait.ge [sflag:s11], $0x4000  }
0xa0: {  	[sflag:s11] =	ssyncset.done $0x0  }
0xa1: {  	[sflag:s11] =	ssyncadd.s32 $0xFFFFC000  }
0xa2: {  	[tilespmem:s14], [sflag:$0x3] =	stream.indirect.gather [spmem:s2], $0x80, s21, s12, $0xb8;
	[tilespmem:$0x12440] =	vst v63  }
0xa3: {  	_ =	swait.ge [sflag:s9], $0x4000  }
0xa4: {  	[sflag:s9] =	ssyncset.done $0x0  }
0xa5: {  	s0 =	rddreg [dreg:$0x9];
	[sflag:s9] =	ssyncadd.s32 $0xFFFFC000  }
0xa6: {  	[hbm4b:s0+s1] =	stream.linear.scatter [tilespmem:s7], [sflag:$0x5], $0x4000, $0x38;
	[tilespmem:$0x12440] =	vst v63  }
0xa7: {  	_ =	swait.ge [sflag:s10], $0x4000  }
0xa8: {  	[sflag:s10] =	ssyncset.done $0x0  }
0xa9: {  	[sflag:s10] =	ssyncadd.s32 $0xFFFFC000  }
0xaa: {  	[tilespmem:s13], [sflag:$0x4] =	stream.indirect.gather [spmem:s2], $0x80, s20, s12, $0xb8;
	[tilespmem:$0x12440] =	vst v63  }
0xab: {  	_ =	swait.ge [sflag:s8], $0x4000  }
0xac: {  	[sflag:s8] =	ssyncset.done $0x0  }
0xad: {  	s0 =	rddreg [dreg:$0xa];
	[sflag:s8] =	ssyncadd.s32 $0xFFFFC000  }
0xae: {  	[hbm4b:s0+s1] =	stream.linear.scatter [tilespmem:s6], [sflag:$0x6], $0x4000, $0x38;
	[tilespmem:$0x12440] =	vst v63  }
0xaf: {  	_ =	swait.ge [sflag:s4], $0x4000  }
0xb0: {  	[sflag:s4] =	ssyncset.done $0x0  }
0xb1: {  	[sflag:s4] =	ssyncadd.s32 $0xFFFFC000  }
0xb2: {  	[tilespmem:s7], [sflag:$0x1] =	stream.indirect.gather [spmem:s2], $0x80, s19, s12, $0xb8;
	[tilespmem:$0x12440] =	vst v63  }
0xb3: {  	_ =	swait.ge [sflag:s16], $0x4000  }
0xb4: {  	[sflag:s16] =	ssyncset.done $0x0  }
0xb5: {  	s0 =	rddreg [dreg:$0xb];
	[sflag:s16] =	ssyncadd.s32 $0xFFFFC000  }
0xb6: {  	[hbm4b:s0+s1] =	stream.linear.scatter [tilespmem:s14], [sflag:$0x7], $0x4000, $0x38;
	[tilespmem:$0x12440] =	vst v63  }
0xb7: {  	_ =	swait.ge [sflag:s5], $0x4000  }
0xb8: {  	[sflag:s5] =	ssyncset.done $0x0  }
0xb9: {  	[sflag:s5] =	ssyncadd.s32 $0xFFFFC000  }
0xba: {  	[tilespmem:s6], [sflag:$0x2] =	stream.indirect.gather [spmem:s2], $0x80, s17, s12, $0xb8;
	[tilespmem:$0x12440] =	vst v63  }
0xbb: {  	_ =	swait.ge [sflag:s15], $0x4000  }
0xbc: {  	[sflag:s15] =	ssyncset.done $0x0  }
0xbd: {  	s0 =	rddreg [dreg:$0xc];
	[sflag:s15] =	ssyncadd.s32 $0xFFFFC000  }
0xbe: {  	[hbm4b:s0+s1] =	stream.linear.scatter [tilespmem:s13], [sflag:$0x8], $0x4000, $0x38;
	[tilespmem:$0x12440] =	vst v63  }
0xbf: {  	_ =	swait.ge [sflag:s9], $0x4000  }
0xc0: {  	[sflag:s9] =	ssyncset.done $0x0  }
0xc1: {  	s0 =	rddreg [dreg:$0xd];
	[sflag:s9] =	ssyncadd.s32 $0xFFFFC000  }
0xc2: {  	[hbm4b:s0+s1] =	stream.linear.scatter [tilespmem:s7], [sflag:$0x5], $0x4000, $0x38;
	[tilespmem:$0x12440] =	vst v63  }
0xc3: {  	_ =	swait.ge [sflag:s8], $0x4000  }
0xc4: {  	[sflag:s8] =	ssyncset.done $0x0  }
0xc5: {  	[sflag:s8] =	ssyncadd.s32 $0xFFFFC000  }
0xc6: {  	[hbm4b:s3+s1] =	stream.linear.scatter [tilespmem:s6], [sflag:$0x6], $0x4000, $0x38;
	[tilespmem:$0x12440] =	vst v63  }
0xc7: {  	_ =	swait.ge [sflag:s11], $0x4000  }
0xc8: {  	[sflag:s11] =	ssyncset.done $0x0  }
0xc9: {  	[sflag:s11] =	ssyncadd.s32 $0xFFFFC000  }
0xca: {  	_ =	swait.ge [sflag:s10], $0x4000  }
0xcb: {  	s31 =	sadd.s32 $0xFFFFFFFF, s31;
	[sflag:s10] =	ssyncset.done $0x0  }
0xcc: {  	p2 =	sne.s32 s31, $0x0;
	[sflag:s10] =	ssyncadd.s32 $0xFFFFC000  }
.Ltmp2:
0xcd: {  	_ =	swait.ge [sflag:s4], $0x4000;
	(pc) =	sbr.rel @p2 .LBB2_3-.Ltmp2, $4  }
0xce: {  	[sflag:s4] =	ssyncset.done $0x0  }
0xcf: {  	[sflag:s4] =	ssyncadd.s32 $0xFFFFC000  }
0xd0: {  	_ =	swait.ge [sflag:s5], $0x4000  }
0xd1: {  	s0 =	rddreg [dreg:$0x4];
	[sflag:s5] =	ssyncset.done $0x0  }
0xd2: {  	s30 =	rddreg [dreg:$0x3]  }
.LBB2_5:
0xd3: {  	[sflag:s5] =	ssyncadd.s32 @p1 $0xFFFFC000;
	s29 =	simm.s32 @!p0 $0x1C09  }
0xd4: {  	[spmem:s28], [sflag:s29] =	dma.local @!p0 [hbm:s0], $0x3E80  }
0xd5: {  	s0 =	simm.s32 @!p0 $0x9  }
0xd6: {  	_ =	swait.ge @!p0 [sflag:s0], $0x3E80  }
0xd7: {  	[sflag:s0] =	ssyncset.done @!p0 $0x0  }
0xd8: {  	s31 =	rddreg [dreg:$0x5];
	[sflag:s0] =	ssyncadd.s32 @!p0 $0xFFFFC180  }
0xd9: {  	[tilespmem:s1], [sflag:$0x9] =	stream.linear.gather [hbm4b:s31+s1], $0x500, $0x38;
	[tilespmem:$0x12440] =	vst v63  }
0xda: {  	_ =	swait.ge [sflag:s25], $0x500  }
0xdb: {  	[sflag:s25] =	ssyncset.done $0x0  }
0xdc: {  	[sflag:s25] =	ssyncadd.s32 $0xFFFFFB00  }
0xdd: {  	[bflag:$0x0] =	sbarrier.arrive $0xFFFF  }
0xde: {  	[tilespmem:s7], [sflag:$0x1] =	stream.indirect.gather [spmem:s2], $0x80, s1, s12, $0xb8;
	[tilespmem:$0x12440] =	vst v63  }
0xdf: {  	_ = 	snop  }
0xe0: {  	[tilespmem:s6], [sflag:$0x2] =	stream.indirect.gather [spmem:s2], $0x80, s12, s12, $0xb8;
	[tilespmem:$0x12440] =	vst v63  }
0xe1: {  	_ = 	snop  }
0xe2: {  	[tilespmem:s14], [sflag:$0x3] =	stream.indirect.gather [spmem:s2], $0x80, s26, s12, $0xb8;
	[tilespmem:$0x12440] =	vst v63  }
0xe3: {  	_ =	swait.ge [sflag:s9], $0x4000  }
0xe4: {  	[sflag:s9] =	ssyncset.done $0x0  }
0xe5: {  	[sflag:s9] =	ssyncadd.s32 $0xFFFFC000  }
0xe6: {  	[hbm4b:s18+s1] =	stream.linear.scatter [tilespmem:s7], [sflag:$0x5], $0x4000, $0x38;
	[tilespmem:$0x12440] =	vst v63  }
0xe7: {  	_ = 	snop  }
0xe8: {  	[tilespmem:s13], [sflag:$0x4] =	stream.indirect.gather [spmem:s2], $0x80, s24, s12, $0xb8;
	[tilespmem:$0x12440] =	vst v63  }
0xe9: {  	_ =	swait.ge [sflag:s8], $0x4000  }
0xea: {  	[sflag:s8] =	ssyncset.done $0x0  }
0xeb: {  	s18 =	rddreg [dreg:$0x6];
	[sflag:s8] =	ssyncadd.s32 $0xFFFFC000  }
0xec: {  	[hbm4b:s18+s1] =	stream.linear.scatter [tilespmem:s6], [sflag:$0x6], $0x4000, $0x38;
	[tilespmem:$0x12440] =	vst v63  }
0xed: {  	_ =	swait.ge [sflag:s4], $0x4000  }
0xee: {  	[sflag:s4] =	ssyncset.done $0x0  }
0xef: {  	[sflag:s4] =	ssyncadd.s32 $0xFFFFC000  }
0xf0: {  	[tilespmem:s7], [sflag:$0x1] =	stream.indirect.gather [spmem:s2], $0x80, s23, s12, $0xb8;
	[tilespmem:$0x12440] =	vst v63  }
0xf1: {  	_ =	swait.ge [sflag:s16], $0x4000  }
0xf2: {  	[sflag:s16] =	ssyncset.done $0x0  }
0xf3: {  	s23 =	rddreg [dreg:$0x7];
	[sflag:s16] =	ssyncadd.s32 $0xFFFFC000  }
0xf4: {  	[hbm4b:s23+s1] =	stream.linear.scatter [tilespmem:s14], [sflag:$0x7], $0x4000, $0x38;
	[tilespmem:$0x12440] =	vst v63  }
0xf5: {  	_ =	swait.ge [sflag:s5], $0x4000  }
0xf6: {  	[sflag:s5] =	ssyncset.done $0x0  }
0xf7: {  	[sflag:s5] =	ssyncadd.s32 $0xFFFFC000  }
0xf8: {  	[tilespmem:s6], [sflag:$0x2] =	stream.indirect.gather [spmem:s2], $0x80, s22, s12, $0xb8;
	[tilespmem:$0x12440] =	vst v63  }
0xf9: {  	_ =	swait.ge [sflag:s15], $0x4000  }
0xfa: {  	[sflag:s15] =	ssyncset.done $0x0  }
0xfb: {  	s24 =	rddreg [dreg:$0x8];
	[sflag:s15] =	ssyncadd.s32 $0xFFFFC000  }
0xfc: {  	[hbm4b:s24+s1] =	stream.linear.scatter [tilespmem:s13], [sflag:$0x8], $0x4000, $0x38;
	[tilespmem:$0x12440] =	vst v63  }
0xfd: {  	_ =	swait.ge [sflag:s11], $0x4000  }
0xfe: {  	[sflag:s11] =	ssyncset.done $0x0  }
0xff: {  	[sflag:s11] =	ssyncadd.s32 $0xFFFFC000  }
0x100: {  	[tilespmem:s14], [sflag:$0x3] =	stream.indirect.gather [spmem:s2], $0x80, s21, s12, $0xb8;
	[tilespmem:$0x12440] =	vst v63  }
0x101: {  	_ =	swait.ge [sflag:s9], $0x4000  }
0x102: {  	[sflag:s9] =	ssyncset.done $0x0  }
0x103: {  	s25 =	rddreg [dreg:$0x9];
	[sflag:s9] =	ssyncadd.s32 $0xFFFFC000  }
0x104: {  	[hbm4b:s25+s1] =	stream.linear.scatter [tilespmem:s7], [sflag:$0x5], $0x4000, $0x38;
	[tilespmem:$0x12440] =	vst v63  }
0x105: {  	_ =	swait.ge [sflag:s10], $0x4000  }
0x106: {  	[sflag:s10] =	ssyncset.done $0x0  }
0x107: {  	[sflag:s10] =	ssyncadd.s32 $0xFFFFC000  }
0x108: {  	[tilespmem:s13], [sflag:$0x4] =	stream.indirect.gather [spmem:s2], $0x80, s20, s12, $0xb8;
	[tilespmem:$0x12440] =	vst v63  }
0x109: {  	_ =	swait.ge [sflag:s8], $0x4000  }
0x10a: {  	[sflag:s8] =	ssyncset.done $0x0  }
0x10b: {  	s26 =	rddreg [dreg:$0xa];
	[sflag:s8] =	ssyncadd.s32 $0xFFFFC000  }
0x10c: {  	[hbm4b:s26+s1] =	stream.linear.scatter [tilespmem:s6], [sflag:$0x6], $0x4000, $0x38;
	[tilespmem:$0x12440] =	vst v63  }
0x10d: {  	_ =	swait.ge [sflag:s4], $0x4000  }
0x10e: {  	[sflag:s4] =	ssyncset.done $0x0  }
0x10f: {  	[sflag:s4] =	ssyncadd.s32 $0xFFFFC000  }
0x110: {  	[tilespmem:s7], [sflag:$0x1] =	stream.indirect.gather [spmem:s2], $0x80, s19, s12, $0xb8;
	[tilespmem:$0x12440] =	vst v63  }
0x111: {  	_ =	swait.ge [sflag:s16], $0x4000  }
0x112: {  	[sflag:s16] =	ssyncset.done $0x0  }
0x113: {  	s28 =	rddreg [dreg:$0xb];
	[sflag:s16] =	ssyncadd.s32 $0xFFFFC000  }
0x114: {  	[hbm4b:s28+s1] =	stream.linear.scatter [tilespmem:s14], [sflag:$0x7], $0x4000, $0x38;
	[tilespmem:$0x12440] =	vst v63  }
0x115: {  	_ =	swait.ge [sflag:s5], $0x4000  }
0x116: {  	[sflag:s5] =	ssyncset.done $0x0  }
0x117: {  	[sflag:s5] =	ssyncadd.s32 $0xFFFFC000  }
0x118: {  	[tilespmem:s6], [sflag:$0x2] =	stream.indirect.gather [spmem:s2], $0x80, s17, s12, $0xb8;
	[tilespmem:$0x12440] =	vst v63  }
0x119: {  	_ =	swait.ge [sflag:s15], $0x4000  }
0x11a: {  	[sflag:s15] =	ssyncset.done $0x0  }
0x11b: {  	s29 =	rddreg [dreg:$0xc];
	[sflag:s15] =	ssyncadd.s32 $0xFFFFC000  }
0x11c: {  	[hbm4b:s29+s1] =	stream.linear.scatter [tilespmem:s13], [sflag:$0x8], $0x4000, $0x38;
	[tilespmem:$0x12440] =	vst v63  }
0x11d: {  	_ =	swait.ge [sflag:s9], $0x4000  }
0x11e: {  	[sflag:s9] =	ssyncset.done $0x0  }
0x11f: {  	s31 =	rddreg [dreg:$0xd];
	[sflag:s9] =	ssyncadd.s32 $0xFFFFC000  }
0x120: {  	[hbm4b:s31+s1] =	stream.linear.scatter [tilespmem:s7], [sflag:$0x5], $0x4000, $0x38;
	[tilespmem:$0x12440] =	vst v63  }
0x121: {  	_ =	swait.ge [sflag:s8], $0x4000  }
0x122: {  	[sflag:s8] =	ssyncset.done $0x0  }
0x123: {  	[sflag:s8] =	ssyncadd.s32 $0xFFFFC000  }
0x124: {  	[hbm4b:s3+s1] =	stream.linear.scatter [tilespmem:s6], [sflag:$0x6], $0x4000, $0x38;
	[tilespmem:$0x12440] =	vst v63  }
0x125: {  	_ =	swait.ge [sflag:s11], $0x4000  }
0x126: {  	[sflag:s11] =	ssyncset.done $0x0  }
0x127: {  	[sflag:s11] =	ssyncadd.s32 $0xFFFFC000  }
0x128: {  	_ =	swait.ge [sflag:s10], $0x4000  }
0x129: {  	[sflag:s10] =	ssyncset.done $0x0  }
0x12a: {  	[sflag:s10] =	ssyncadd.s32 $0xFFFFC000  }
0x12b: {  	_ =	swait.ge [sflag:s4], $0x4000  }
0x12c: {  	[sflag:s4] =	ssyncset.done $0x0  }
0x12d: {  	[sflag:s4] =	ssyncadd.s32 $0xFFFFC000  }
0x12e: {  	_ =	swait.ge [sflag:s5], $0x4000  }
0x12f: {  	[sflag:s5] =	ssyncset.done $0x0  }
0x130: {  	[sflag:s5] =	ssyncadd.s32 $0xFFFFC000  }
0x131: {  	_ =	sfence.sel $0x180000  }
0x132: {  	[bflag:$0x0] =	sbarrier.arrive $0xFFFF  }
0x133: {  	_ =	strace $0x9000004A  }
0x134: {  	s0 =	sadd.s32 @!p0 $0x100000, s30;
	[bflag:$0x2] =	sbarrier.arrive $0xFFFF  }
0x135: {  	[sflag:s0] =	ssyncadd.tile.s32 @!p0 $0x1;
	_ =	shalt  }
.LBB2_2:
.Ltmp3:
0x136: {  	(pc) =	sbr.rel .LBB2_5-.Ltmp3, $2  }
0x137: {  	_ =	sdelay $0x2  }
0x138: {  	s30 =	rddreg [dreg:$0x3]  }
.Lfunc_end2:
_tile_overlayer_lowered:
.L_overlay_start_2:
0x139: {  	(tag) =	ssettag $0x2  }
0x13a: {  	s0 =	rddreg [dreg:$0x0];
	s2 =	stileid.u32  }
0x13b: {  	s1 =	rddreg [dreg:$0x1];
	p0 =	sne.s32 s2, $0x0  }
0x13c: {  	s3 =	rddreg [dreg:$0x2];
	[bflag:$0x3] =	sbarrier.arrive $0xFFFF;
	s2 =	simm.s32 @!p0 $0x1C09  }
0x13d: {  	[timem:s3], [sflag:s2] =	dma.local @!p0 [hbm:s0], s1  }
0x13e: {  	s0 =	simm.s32 @!p0 $0x9  }
0x13f: {  	_ =	swait.ge @!p0 [sflag:s0], s1  }
0x140: {  	s1 =	ssub.s32 @!p0 $0x0, s1;
	[sflag:s0] =	ssyncset.done @!p0 $0x0  }
0x141: {  	[sflag:s0] =	ssyncadd.s32 @!p0 s1  }
0x142: {  	[bflag:$0x3] =	sbarrier.arrive $0xFFFF  }
0x143: {  	_ =	shalt  }

</sc_bundles>
